<compile_context>
chip_gen: v7x
topology: tpu7x:2x2x1
jax: 0.10.2.dev20260603
libtpu: 0.0.44.dev20260713+nightly
codegen_flags: <defaults>
</compile_context>

<pallas_src>
import functools

import jax
import jax.numpy as jnp
from jax import lax
from jax.experimental import pallas as pl
from jax.experimental.pallas import tpu as pltpu
from jax.experimental.pallas import tpu_sc as plsc

_B, _D, _K = 128, 32768, 64
_DT = 4096
_ND = _D // _DT
_RB = 128
_NR = _B // _RB
_W = 128
_NBW = _DT // _W
_NBLK = _D // _W
_MAXR = 31
_NW = 32
_RPW = _B // _NW
_POOL = _MAXR * _W + 16
_NEG = -3.0e38



def _acc_kernel(x_ref, u_ref, v_ref):
    @pl.when(pl.program_id(0) == 0)
    def _():
        v_ref[...] = jnp.zeros_like(v_ref)
    v_ref[...] += jnp.dot(x_ref[...], u_ref[...],
                          preferred_element_type=jnp.float32)


def _score_kernel(x_ref, g_ref, u_ref, th_ref, v_ref,
                  pert_ref, bm_ref, m_ref, se_ref,
                  macc, seacc):
    j = pl.program_id(0)
    x = x_ref[...]
    grad = th_ref[...] + lax.dot_general(
        v_ref[...], u_ref[...], (((1,), (1,)), ((), ())),
        preferred_element_type=jnp.float32)
    s = (0.5 - x) * grad
    pert = s + g_ref[...]
    pert_ref[...] = pert
    tm = jnp.max(s, axis=-1, keepdims=True)
    tse = jnp.sum(jnp.exp(s - tm), axis=-1, keepdims=True)
    row0 = pl.program_id(1) * _RB
    bm_ref[...] = jnp.max(pert.reshape(_RB, _NBW, _W), axis=-1)[None]

    @pl.when(j == 0)
    def _():
        macc[pl.ds(row0, _RB), :] = tm
        seacc[pl.ds(row0, _RB), :] = tse

    @pl.when(j > 0)
    def _():
        m_old = macc[pl.ds(row0, _RB), :]
        se_old = seacc[pl.ds(row0, _RB), :]
        m_new = jnp.maximum(m_old, tm)
        macc[pl.ds(row0, _RB), :] = m_new
        seacc[pl.ds(row0, _RB), :] = (se_old * jnp.exp(m_old - m_new)
                                      + tse * jnp.exp(tm - m_new))

    @pl.when(j == _ND - 1)
    def _():
        m_ref[...] = macc[pl.ds(row0, _RB), :]
        se_ref[...] = seacc[pl.ds(row0, _RB), :]


def _sc_body(x_hbm, pblk_hbm, bm_hbm, m_hbm, se_hbm, rad_hbm, uac_hbm,
             v_hbm, th_hbm, utab_hbm, gf_hbm,
             out_hbm,
             xrow_v, bm_v, blkid_v, cbase_v, blocks_v, pool_v, poolix_v,
             topix_v, topval_v, gidx_v, uidx_v, gsel_v, thsel_v, usel_v,
             vrow_v, fd_v, rad_v, uac_v, m_v, se_v, sem, sem2):
    i32 = jnp.int32
    f32 = jnp.float32
    lanes = lax.iota(i32, 16)
    zi = jnp.zeros((16,), i32)
    zf = jnp.zeros((16,), f32)

    def sc0(vec):
        return lax.squeeze(lax.slice(vec, (0,), (1,)), (0,))

    wid = lax.axis_index("s") * 2 + lax.axis_index("c")
    base = wid * _RPW

    pltpu.sync_copy(rad_hbm, rad_v)
    pltpu.sync_copy(uac_hbm, uac_v)
    pltpu.sync_copy(m_hbm, m_v)
    pltpu.sync_copy(se_hbm, se_v)

    pltpu.async_copy(x_hbm.at[base], xrow_v, sem2)

    def row_body(rr, carry):
        r = base + rr
        pltpu.sync_copy(bm_hbm.at[:, r], bm_v)
        pltpu.sync_copy(v_hbm.at[r], vrow_v)

        blkid_v[pl.ds(0, 16)] = zi
        blkid_v[pl.ds(16, 16)] = zi
        cbase_v[pl.ds(0, 16)] = zi
        cbase_v[pl.ds(16, 16)] = zi

        def ext_blk(j, _t):
            rv = jnp.full((16,), _NEG, f32)
            for k in range(16):
                rv = jnp.maximum(
                    rv, bm_v[k // 2, pl.ds((k % 2) * 16, 16)])
            gmax = jnp.max(rv)
            posv = jnp.full((16,), -1, i32)
            for k in range(16):
                pv = bm_v[k // 2, pl.ds((k % 2) * 16, 16)]
                posv = jnp.maximum(
                    posv, jnp.where(pv == gmax, lanes + 16 * k, -1))
            pos = jnp.max(posv)
            plsc.store_scatter(bm_v, [zi + pos // _NBW, zi + pos % _NBW],
                               zf + _NEG, mask=lanes == 0)
            plsc.store_scatter(blkid_v, [zi + j], zi + (r * _NBLK + pos),
                               mask=lanes == 0)
            plsc.store_scatter(cbase_v, [zi + j], zi + pos * _W,
                               mask=lanes == 0)
            return gmax
        t31 = lax.fori_loop(0, _MAXR, ext_blk, _NEG)

        pltpu.async_copy(pblk_hbm.at[blkid_v], blocks_v, sem).wait()

        t31v = zf + t31

        def comp_blk(jj, cur):
            cb = plsc.load_gather(cbase_v, [zi + jj])
            for k in range(8):
                pv = blocks_v[jj, pl.ds(16 * k, 16)]
                msk = pv >= t31v
                plsc.store_compressed(pool_v.at[pl.ds(cur, 16)], pv, mask=msk)
                plsc.store_compressed(poolix_v.at[pl.ds(cur, 16)],
                                      cb + (16 * k) + lanes, mask=msk)
                cur = cur + sc0(plsc.all_reduce_population_count(msk))
            return cur
        psize = lax.fori_loop(0, _MAXR, comp_blk, jnp.int32(0))
        pool_v[pl.ds(psize, 16)] = zf + _NEG
        poolix_v[pl.ds(psize, 16)] = zi

        nv = (psize + 15) // 16
        topix_v[pl.ds(0, 16)] = zi
        topix_v[pl.ds(16, 16)] = zi

        def ext_pool(j, _u):
            def scan1(k, rv):
                return jnp.maximum(rv, pool_v[pl.ds(16 * k, 16)])
            rv = lax.fori_loop(0, nv, scan1, jnp.full((16,), _NEG, f32))
            gmax = jnp.max(rv)

            def scan2(k, c):
                posv, idxv = c
                pv = pool_v[pl.ds(16 * k, 16)]
                hit = pv == gmax
                posv = jnp.maximum(
                    posv, jnp.where(hit, lanes + 16 * k, -1))
                idxv = jnp.maximum(
                    idxv, jnp.where(hit, poolix_v[pl.ds(16 * k, 16)], -1))
                return posv, idxv
            posv, idxv = lax.fori_loop(
                0, nv, scan2,
                (jnp.full((16,), -1, i32), jnp.full((16,), -1, i32)))
            pos = jnp.max(posv)
            col = jnp.max(idxv)
            plsc.store_scatter(pool_v, [zi + pos], zf + _NEG,
                               mask=lanes == 0)
            plsc.store_scatter(topix_v, [zi + j], zi + col,
                               mask=lanes == 0)
            plsc.store_scatter(topval_v, [zi + j], zf + gmax,
                               mask=lanes == 0)
            return 0
        lax.fori_loop(0, _MAXR, ext_pool, 0)

        tix0 = topix_v[pl.ds(0, 16)]
        tix1 = topix_v[pl.ds(16, 16)]
        gidx_v[pl.ds(0, 16)] = tix0 + r * _D
        gidx_v[pl.ds(16, 16)] = tix1 + r * _D
        uidx_v[pl.ds(0, 16)] = tix0 // 2
        uidx_v[pl.ds(16, 16)] = tix1 // 2
        cg = pltpu.async_copy(gf_hbm.at[gidx_v], gsel_v, sem)
        ct = pltpu.async_copy(th_hbm.at[topix_v], thsel_v, sem)
        cu = pltpu.async_copy(utab_hbm.at[uidx_v], usel_v, sem)
        pltpu.make_async_copy(x_hbm.at[r], xrow_v, sem2).wait()
        x0 = plsc.load_gather(xrow_v, [tix0])
        x1 = plsc.load_gather(xrow_v, [tix1])
        cg.wait()
        ct.wait()
        cu.wait()

        rad = plsc.load_gather(rad_v, [zi + r])
        uacc = plsc.load_gather(uac_v, [zi + r])
        mrow = plsc.load_gather(m_v, [zi + r])
        serow = plsc.load_gather(se_v, [zi + r])

        tv0 = topval_v[pl.ds(0, 16)]
        tv1 = topval_v[pl.ds(16, 16)]
        s0 = tv0 - gsel_v[pl.ds(0, 16)]
        s1 = tv1 - gsel_v[pl.ds(16, 16)]
        d0 = 1.0 - 2.0 * x0
        d1 = 1.0 - 2.0 * x1
        f0 = jnp.where(lanes < rad, 1.0, 0.0)
        f1 = jnp.where(lanes + 16 < rad, 1.0, 0.0)
        fd0 = f0 * d0
        fd1 = f1 * d1
        fd_v[pl.ds(0, 16)] = fd0
        fd_v[pl.ds(16, 16)] = fd1

        def wacc_body(j, wc):
            fdj = plsc.load_gather(fd_v, [zi + j])
            tj = sc0(plsc.load_gather(topix_v, [zi + j]))
            half = (tj % 2) * 64
            return tuple(
                wc[c] + fdj * usel_v[j, pl.ds(half + 16 * c, 16)]
                for c in range(4))
        w = lax.fori_loop(0, _MAXR, wacc_body, (zf, zf, zf, zf))

        dth = jnp.sum(fd0 * thsel_v[pl.ds(0, 16)]
                      + fd1 * thsel_v[pl.ds(16, 16)])
        vw = jnp.float32(0.0)
        ww = jnp.float32(0.0)
        for c in range(4):
            vv = vrow_v[pl.ds(16 * c, 16)]
            vw = vw + jnp.sum(vv * w[c])
            ww = ww + jnp.sum(w[c] * w[c])
        dscore = dth + vw + 0.5 * ww
        sum_s = jnp.sum(f0 * s0 + f1 * s1)
        a = dscore - 2.0 * sum_s

        corr = (f0 * (jnp.exp(-s0 - mrow) - jnp.exp(s0 - mrow))
                + f1 * (jnp.exp(-s1 - mrow) - jnp.exp(s1 - mrow)))
        se_y = serow + jnp.sum(corr)
        av = jnp.clip(zf + a, -60.0, 60.0)
        lhs = jnp.exp(av) * serow
        rhs = uacc * jnp.maximum(se_y, 1e-30)
        acc = lhs > rhs

        nb0 = jnp.where(jnp.logical_and(acc, f0 > 0.0), 1.0 - x0, x0)
        nb1 = jnp.where(jnp.logical_and(acc, f1 > 0.0), 1.0 - x1, x1)

        plsc.store_scatter(xrow_v, [tix0], nb0, mask=lanes >= 0)
        plsc.store_scatter(xrow_v, [tix1], nb1, mask=lanes < 15)
        pltpu.sync_copy(xrow_v, out_hbm.at[r])

        @pl.when(rr < _RPW - 1)
        def _():
            pltpu.async_copy(x_hbm.at[r + 1], xrow_v, sem2)
        return carry
    lax.fori_loop(0, _RPW, row_body, 0)


def _sc_call(x, pblk, bm, m, se, radius, u_accept, v, theta, U, gflat):
    f32 = jnp.float32
    i32 = jnp.int32
    mesh = plsc.VectorSubcoreMesh(core_axis_name="c", subcore_axis_name="s")
    kern = functools.partial(
        pl.kernel,
        mesh=mesh,
        out_type=jax.ShapeDtypeStruct((_B, _D), f32),
        scratch_types=[
            pltpu.VMEM((_D,), f32),
            pltpu.VMEM((_ND, _NBW), f32),
            pltpu.VMEM((2 * 16,), i32),
            pltpu.VMEM((2 * 16,), i32),
            pltpu.VMEM((_MAXR + 1, _W), f32),
            pltpu.VMEM((_POOL,), f32),
            pltpu.VMEM((_POOL,), i32),
            pltpu.VMEM((2 * 16,), i32),
            pltpu.VMEM((2 * 16,), f32),
            pltpu.VMEM((2 * 16,), i32),
            pltpu.VMEM((2 * 16,), i32),
            pltpu.VMEM((2 * 16,), f32),
            pltpu.VMEM((2 * 16,), f32),
            pltpu.VMEM((_MAXR + 1, 2 * _K), f32),
            pltpu.VMEM((_K,), f32),
            pltpu.VMEM((2 * 16,), f32),
            pltpu.VMEM((_B,), i32),
            pltpu.VMEM((_B,), f32),
            pltpu.VMEM((_B,), f32),
            pltpu.VMEM((_B,), f32),
            pltpu.SemaphoreType.DMA,
            pltpu.SemaphoreType.DMA,
        ],
        compiler_params=pltpu.CompilerParams(needs_layout_passes=False),
    )(_sc_body)
    return kern(x, pblk, bm, m, se, radius, u_accept, v, theta, U, gflat)


def kernel(x, theta, U, radius, gumbel, u_accept):
    f32 = jnp.float32
    x = x.astype(f32)
    th2 = theta.reshape(1, _D)

    v = pl.pallas_call(
        _acc_kernel,
        grid=(_ND,),
        in_specs=[
            pl.BlockSpec((_B, _DT), lambda j: (0, j)),
            pl.BlockSpec((_DT, _K), lambda j: (j, 0)),
        ],
        out_specs=pl.BlockSpec((_B, _K), lambda j: (0, 0)),
        out_shape=jax.ShapeDtypeStruct((_B, _K), f32),
    )(x, U)

    outs = pl.pallas_call(
        _score_kernel,
        grid=(_ND, _NR),
        in_specs=[
            pl.BlockSpec((_RB, _DT), lambda j, i: (i, j)),
            pl.BlockSpec((_RB, _DT), lambda j, i: (i, j)),
            pl.BlockSpec((_DT, _K), lambda j, i: (j, 0)),
            pl.BlockSpec((1, _DT), lambda j, i: (0, j)),
            pl.BlockSpec((_RB, _K), lambda j, i: (i, 0)),
        ],
        out_specs=[
            pl.BlockSpec((_RB, _DT), lambda j, i: (i, j)),
            pl.BlockSpec((1, _RB, _NBW), lambda j, i: (j, i, 0)),
            pl.BlockSpec((_RB, 1), lambda j, i: (i, 0)),
            pl.BlockSpec((_RB, 1), lambda j, i: (i, 0)),
        ],
        out_shape=[
            jax.ShapeDtypeStruct((_B, _D), f32),
            jax.ShapeDtypeStruct((_ND, _B, _NBW), f32),
            jax.ShapeDtypeStruct((_B, 1), f32),
            jax.ShapeDtypeStruct((_B, 1), f32),
        ],
        scratch_shapes=[
            pltpu.VMEM((_B, 1), f32),
            pltpu.VMEM((_B, 1), f32),
        ],
    )(x, gumbel, U, th2, v)
    pert, bm3, m, se = outs

    return _sc_call(
        x, pert.reshape(_B * _NBLK, _W), bm3,
        m.reshape(_B), se.reshape(_B), radius.reshape(_B).astype(jnp.int32),
        u_accept, v, theta, U.reshape(_D // 2, 2 * _K),
        gumbel.reshape(_B * _D))

# --- scband reference (transcript-rebuilt; emitter-appended) ---
"""Pipeline reference for scband-msfast-sampler-24816321036789 (READ-ONLY COPY).

The authoritative reference and input builder live on the scoring server;
editing this copy changes nothing except your own understanding.
"""

import jax, jax.numpy as jnp
import numpy as np

R = 16
B, D, RNK = 128, 32768, 64


def _model(x, theta, U):
    # low-rank quadratic energy model: score per sample, shape [B]
    return x @ theta + 0.5 * jnp.sum(jnp.square(x @ U), axis=-1)


def setup_inputs(seed: int = 0) -> dict:
    key = jax.random.key(seed)
    k1, k2, k3, k4, k5, k6 = jax.random.split(key, 6)
    x = jax.random.randint(k1, (B, D), 0, 2).astype(jnp.float32)
    theta = jax.random.normal(k2, (D,), dtype=jnp.float32)
    U = jax.random.normal(k3, (D, RNK), dtype=jnp.float32) * 0.001
    radius = jax.random.randint(k4, (B, 1), 1, 2 * R)
    gumbel = jax.random.gumbel(k5, (B, D), dtype=jnp.float32)
    u_accept = jax.random.uniform(k6, (B,), dtype=jnp.float32)
    return {"x": x, "theta": theta, "U": U, "radius": radius,
            "gumbel": gumbel, "u_accept": u_accept}


def reference(x, theta, U, radius, gumbel, u_accept):
    Bsz, Dim = x.shape
    max_r = 2 * R - 1
    r_mask = (jnp.arange(max_r)[None, :] < radius).astype(jnp.float32)
    score_x = _model(x, theta, U)
    grad = jax.grad(lambda xx: jnp.sum(_model(xx, theta, U)))(x)
    delta_x = -(2.0 * x - 1.0)
    score_change_x = delta_x * grad / 2.0
    prob_x_local = jax.nn.softmax(score_change_x, axis=-1)
    # multinomial without replacement via Gumbel top-k
    pert = jnp.log(prob_x_local + 1e-20) + gumbel
    _, indices = jax.lax.top_k(pert, max_r)
    rows = jnp.arange(Bsz)[:, None]
    cur_bits = x[rows, indices]
    new_bits = 1.0 - cur_bits
    y = x.at[rows, indices].set(r_mask * new_bits + (1.0 - r_mask) * cur_bits)
    delta_y = -(2.0 * y - 1.0)
    score_y = _model(y, theta, U)
    score_change_y = delta_y * grad / 2.0
    log_pypx = score_y - score_x
    log_tilde_pxpy = -jnp.sum(grad * (y - x), axis=-1)
    log_zxzy = (jax.nn.logsumexp(score_change_x, axis=-1)
                - jax.nn.logsumexp(score_change_y, axis=-1))
    log_acc = jnp.minimum(log_pypx + log_tilde_pxpy + log_zxzy, 0.0)
    accepted = (jnp.exp(log_acc) > u_accept).astype(jnp.float32)[:, None]
    new_x = y * accepted + (1.0 - accepted) * x
    return new_x

if __name__ == "__main__":
    import jax
    _d = setup_inputs()
    print(jax.jit(kernel)(*tuple(_d.values())))

</pallas_src>

<mosaic_0001>
#map = affine_map<(d0, d1) -> (0, 0)>
#map1 = affine_map<(d0, d1) -> (0, 0, 0)>
#map2 = affine_map<(d0, d1) -> (0)>
module attributes {stable_mosaic.version = 14 : i64} {
  func.func @_sc_body(%arg0: i32, %arg1: i32, %arg2: memref<128x32768xf32, #tpu.memory_space<hbm>>, %arg3: memref<32768x128xf32, #tpu.memory_space<hbm>>, %arg4: memref<8x128x32xf32, #tpu.memory_space<hbm>>, %arg5: memref<128xf32, #tpu.memory_space<hbm>>, %arg6: memref<128xf32, #tpu.memory_space<hbm>>, %arg7: memref<128xi32, #tpu.memory_space<hbm>>, %arg8: memref<128xf32, #tpu.memory_space<hbm>>, %arg9: memref<128x64xf32, #tpu.memory_space<hbm>>, %arg10: memref<32768xf32, #tpu.memory_space<hbm>>, %arg11: memref<16384x128xf32, #tpu.memory_space<hbm>>, %arg12: memref<4194304xf32, #tpu.memory_space<hbm>>, %arg13: memref<128x32768xf32, #tpu.memory_space<hbm>>, %arg14: memref<32768xf32, #tpu.memory_space<vmem>>, %arg15: memref<8x32xf32, #tpu.memory_space<vmem>>, %arg16: memref<32xi32, #tpu.memory_space<vmem>>, %arg17: memref<32xi32, #tpu.memory_space<vmem>>, %arg18: memref<32x128xf32, #tpu.memory_space<vmem>>, %arg19: memref<3984xf32, #tpu.memory_space<vmem>>, %arg20: memref<3984xi32, #tpu.memory_space<vmem>>, %arg21: memref<32xi32, #tpu.memory_space<vmem>>, %arg22: memref<32xf32, #tpu.memory_space<vmem>>, %arg23: memref<32xi32, #tpu.memory_space<vmem>>, %arg24: memref<32xi32, #tpu.memory_space<vmem>>, %arg25: memref<32xf32, #tpu.memory_space<vmem>>, %arg26: memref<32xf32, #tpu.memory_space<vmem>>, %arg27: memref<32x128xf32, #tpu.memory_space<vmem>>, %arg28: memref<64xf32, #tpu.memory_space<vmem>>, %arg29: memref<32xf32, #tpu.memory_space<vmem>>, %arg30: memref<128xi32, #tpu.memory_space<vmem>>, %arg31: memref<128xf32, #tpu.memory_space<vmem>>, %arg32: memref<128xf32, #tpu.memory_space<vmem>>, %arg33: memref<128xf32, #tpu.memory_space<vmem>>, %arg34: memref<!tpu.dma_semaphore, #tpu.memory_space<semaphore_mem>>, %arg35: memref<!tpu.dma_semaphore, #tpu.memory_space<semaphore_mem>>) attributes {dimension_semantics = [#tpu.dimension_semantics<core_parallel>, #tpu.dimension_semantics<subcore_parallel>], iteration_bounds = array<i64: 2, 16>, scalar_prefetch = 0 : i64, scratch_operands = 22 : i64, tpu.core_type = #tpu.core_type<sc_vector_subcore>, window_params = [{transform_indices = #map}, {transform_indices = #map}, {transform_indices = #map1}, {transform_indices = #map2}, {transform_indices = #map2}, {transform_indices = #map2}, {transform_indices = #map2}, {transform_indices = #map}, {transform_indices = #map2}, {transform_indices = #map}, {transform_indices = #map2}, {transform_indices = #map}]} {
    %iota3A = tpu.iota {dimensions = array<i32: 0>} : vector<16xi32>
    %broadcast_in_dim3A = arith.constant 0 : i32
    %broadcast_in_dim3A_0 = vector.broadcast %broadcast_in_dim3A : i32 to vector<16xi32>
    %broadcast_in_dim3A_1 = arith.constant 0.000000e+00 : f32
    %broadcast_in_dim3A_2 = vector.broadcast %broadcast_in_dim3A_1 : f32 to vector<16xf32>
    %mul3A = arith.constant 2 : i32
    %mul3A_3 = arith.muli %arg1, %mul3A : i32
    %add3A = arith.addi %mul3A_3, %arg0 : i32
    %mul3A_4 = arith.constant 4 : i32
    %mul3A_5 = arith.muli %add3A, %mul3A_4 : i32
    "tpu.region"() ({
      %run_scoped3A = tpu.sem_alloc : memref<!tpu.dma_semaphore, #tpu.memory_space<semaphore_mem>>
      tpu.enqueue_dma source(%arg7 : memref<128xi32, #tpu.memory_space<hbm>>) target(%arg30 : memref<128xi32, #tpu.memory_space<vmem>>) target_semaphore(%run_scoped3A : memref<!tpu.dma_semaphore, #tpu.memory_space<semaphore_mem>>)
      tpu.wait_dma2 semaphore(%run_scoped3A : memref<!tpu.dma_semaphore, #tpu.memory_space<semaphore_mem>>) src(%arg7 : memref<128xi32, #tpu.memory_space<hbm>>) dst(%arg30 : memref<128xi32, #tpu.memory_space<vmem>>)
      tpu.yield
    }) : () -> ()
    "tpu.region"() ({
      %run_scoped3A = tpu.sem_alloc : memref<!tpu.dma_semaphore, #tpu.memory_space<semaphore_mem>>
      tpu.enqueue_dma source(%arg8 : memref<128xf32, #tpu.memory_space<hbm>>) target(%arg31 : memref<128xf32, #tpu.memory_space<vmem>>) target_semaphore(%run_scoped3A : memref<!tpu.dma_semaphore, #tpu.memory_space<semaphore_mem>>)
      tpu.wait_dma2 semaphore(%run_scoped3A : memref<!tpu.dma_semaphore, #tpu.memory_space<semaphore_mem>>) src(%arg8 : memref<128xf32, #tpu.memory_space<hbm>>) dst(%arg31 : memref<128xf32, #tpu.memory_space<vmem>>)
      tpu.yield
    }) : () -> ()
    "tpu.region"() ({
      %run_scoped3A = tpu.sem_alloc : memref<!tpu.dma_semaphore, #tpu.memory_space<semaphore_mem>>
      tpu.enqueue_dma source(%arg5 : memref<128xf32, #tpu.memory_space<hbm>>) target(%arg32 : memref<128xf32, #tpu.memory_space<vmem>>) target_semaphore(%run_scoped3A : memref<!tpu.dma_semaphore, #tpu.memory_space<semaphore_mem>>)
      tpu.wait_dma2 semaphore(%run_scoped3A : memref<!tpu.dma_semaphore, #tpu.memory_space<semaphore_mem>>) src(%arg5 : memref<128xf32, #tpu.memory_space<hbm>>) dst(%arg32 : memref<128xf32, #tpu.memory_space<vmem>>)
      tpu.yield
    }) : () -> ()
    "tpu.region"() ({
      %run_scoped3A = tpu.sem_alloc : memref<!tpu.dma_semaphore, #tpu.memory_space<semaphore_mem>>
      tpu.enqueue_dma source(%arg6 : memref<128xf32, #tpu.memory_space<hbm>>) target(%arg33 : memref<128xf32, #tpu.memory_space<vmem>>) target_semaphore(%run_scoped3A : memref<!tpu.dma_semaphore, #tpu.memory_space<semaphore_mem>>)
      tpu.wait_dma2 semaphore(%run_scoped3A : memref<!tpu.dma_semaphore, #tpu.memory_space<semaphore_mem>>) src(%arg6 : memref<128xf32, #tpu.memory_space<hbm>>) dst(%arg33 : memref<128xf32, #tpu.memory_space<vmem>>)
      tpu.yield
    }) : () -> ()
    %dma_start3A = arith.constant 0 : i32
    %dma_start3A_6 = tpu.memref_slice %arg2[%mul3A_5, %dma_start3A] : memref<128x32768xf32, #tpu.memory_space<hbm>> -> memref<1x32768xf32, #tpu.memory_space<hbm>>
    %dma_start3A_7 = tpu.memref_squeeze %dma_start3A_6 : memref<1x32768xf32, #tpu.memory_space<hbm>> -> memref<32768xf32, #tpu.memory_space<hbm>>
    %dma_start3A_8 = arith.constant 0 : i32
    %dma_start3A_9 = tpu.memref_slice %arg2[%mul3A_5, %dma_start3A_8] : memref<128x32768xf32, #tpu.memory_space<hbm>> -> memref<1x32768xf32, #tpu.memory_space<hbm>>
    %dma_start3A_10 = tpu.memref_squeeze %dma_start3A_9 : memref<1x32768xf32, #tpu.memory_space<hbm>> -> memref<32768xf32, #tpu.memory_space<hbm>>
    tpu.enqueue_dma source(%dma_start3A_10 : memref<32768xf32, #tpu.memory_space<hbm>>) target(%arg14 : memref<32768xf32, #tpu.memory_space<vmem>>) target_semaphore(%arg35 : memref<!tpu.dma_semaphore, #tpu.memory_space<semaphore_mem>>)
    %scan3A = arith.constant 0 : i32
    %scan3A_11 = arith.constant 0 : i32
    %scan3A_12 = arith.constant 4 : i32
    %scan3A_13 = arith.addi %scan3A_11, %scan3A_12 : i32
    %scan3A_14 = arith.constant 1 : i32
    scf.for %scan3A_16 = %scan3A_11 to %scan3A_13 step %scan3A_14  : i32 {
      %add3A_17 = arith.addi %mul3A_5, %scan3A_16 : i32
      "tpu.region"() ({
        %run_scoped3A = tpu.sem_alloc : memref<!tpu.dma_semaphore, #tpu.memory_space<semaphore_mem>>
        %dma_start3A_385 = arith.constant 0 : i32
        %dma_start3A_386 = arith.constant 0 : i32
        %dma_start3A_387 = tpu.memref_slice %arg4[%dma_start3A_385, %add3A_17, %dma_start3A_386] : memref<8x128x32xf32, #tpu.memory_space<hbm>> -> memref<8x1x32xf32, #tpu.memory_space<hbm>>
        %dma_start3A_388 = tpu.memref_squeeze %dma_start3A_387 : memref<8x1x32xf32, #tpu.memory_space<hbm>> -> memref<8x32xf32, #tpu.memory_space<hbm>>
        %dma_start3A_389 = arith.constant 0 : i32
        %dma_start3A_390 = arith.constant 0 : i32
        %dma_start3A_391 = tpu.memref_slice %arg4[%dma_start3A_389, %add3A_17, %dma_start3A_390] : memref<8x128x32xf32, #tpu.memory_space<hbm>> -> memref<8x1x32xf32, #tpu.memory_space<hbm>>
        %dma_start3A_392 = tpu.memref_squeeze %dma_start3A_391 : memref<8x1x32xf32, #tpu.memory_space<hbm>> -> memref<8x32xf32, #tpu.memory_space<hbm>>
        tpu.enqueue_dma source(%dma_start3A_392 : memref<8x32xf32, #tpu.memory_space<hbm>>) target(%arg15 : memref<8x32xf32, #tpu.memory_space<vmem>>) target_semaphore(%run_scoped3A : memref<!tpu.dma_semaphore, #tpu.memory_space<semaphore_mem>>)
        %dma_wait3A_393 = arith.constant 0 : i32
        %dma_wait3A_394 = arith.constant 0 : i32
        %dma_wait3A_395 = tpu.memref_slice %arg4[%dma_wait3A_393, %add3A_17, %dma_wait3A_394] : memref<8x128x32xf32, #tpu.memory_space<hbm>> -> memref<8x1x32xf32, #tpu.memory_space<hbm>>
        %dma_wait3A_396 = tpu.memref_squeeze %dma_wait3A_395 : memref<8x1x32xf32, #tpu.memory_space<hbm>> -> memref<8x32xf32, #tpu.memory_space<hbm>>
        %dma_wait3A_397 = arith.constant 0 : i32
        %dma_wait3A_398 = arith.constant 0 : i32
        %dma_wait3A_399 = tpu.memref_slice %arg4[%dma_wait3A_397, %add3A_17, %dma_wait3A_398] : memref<8x128x32xf32, #tpu.memory_space<hbm>> -> memref<8x1x32xf32, #tpu.memory_space<hbm>>
        %dma_wait3A_400 = tpu.memref_squeeze %dma_wait3A_399 : memref<8x1x32xf32, #tpu.memory_space<hbm>> -> memref<8x32xf32, #tpu.memory_space<hbm>>
        tpu.wait_dma2 semaphore(%run_scoped3A : memref<!tpu.dma_semaphore, #tpu.memory_space<semaphore_mem>>) src(%dma_wait3A_400 : memref<8x32xf32, #tpu.memory_space<hbm>>) dst(%arg15 : memref<8x32xf32, #tpu.memory_space<vmem>>)
        tpu.yield
      }) : () -> ()
      "tpu.region"() ({
        %run_scoped3A = tpu.sem_alloc : memref<!tpu.dma_semaphore, #tpu.memory_space<semaphore_mem>>
        %dma_start3A_385 = arith.constant 0 : i32
        %dma_start3A_386 = tpu.memref_slice %arg9[%add3A_17, %dma_start3A_385] : memref<128x64xf32, #tpu.memory_space<hbm>> -> memref<1x64xf32, #tpu.memory_space<hbm>>
        %dma_start3A_387 = tpu.memref_squeeze %dma_start3A_386 : memref<1x64xf32, #tpu.memory_space<hbm>> -> memref<64xf32, #tpu.memory_space<hbm>>
        %dma_start3A_388 = arith.constant 0 : i32
        %dma_start3A_389 = tpu.memref_slice %arg9[%add3A_17, %dma_start3A_388] : memref<128x64xf32, #tpu.memory_space<hbm>> -> memref<1x64xf32, #tpu.memory_space<hbm>>
        %dma_start3A_390 = tpu.memref_squeeze %dma_start3A_389 : memref<1x64xf32, #tpu.memory_space<hbm>> -> memref<64xf32, #tpu.memory_space<hbm>>
        tpu.enqueue_dma source(%dma_start3A_390 : memref<64xf32, #tpu.memory_space<hbm>>) target(%arg28 : memref<64xf32, #tpu.memory_space<vmem>>) target_semaphore(%run_scoped3A : memref<!tpu.dma_semaphore, #tpu.memory_space<semaphore_mem>>)
        %dma_wait3A_391 = arith.constant 0 : i32
        %dma_wait3A_392 = tpu.memref_slice %arg9[%add3A_17, %dma_wait3A_391] : memref<128x64xf32, #tpu.memory_space<hbm>> -> memref<1x64xf32, #tpu.memory_space<hbm>>
        %dma_wait3A_393 = tpu.memref_squeeze %dma_wait3A_392 : memref<1x64xf32, #tpu.memory_space<hbm>> -> memref<64xf32, #tpu.memory_space<hbm>>
        %dma_wait3A_394 = arith.constant 0 : i32
        %dma_wait3A_395 = tpu.memref_slice %arg9[%add3A_17, %dma_wait3A_394] : memref<128x64xf32, #tpu.memory_space<hbm>> -> memref<1x64xf32, #tpu.memory_space<hbm>>
        %dma_wait3A_396 = tpu.memref_squeeze %dma_wait3A_395 : memref<1x64xf32, #tpu.memory_space<hbm>> -> memref<64xf32, #tpu.memory_space<hbm>>
        tpu.wait_dma2 semaphore(%run_scoped3A : memref<!tpu.dma_semaphore, #tpu.memory_space<semaphore_mem>>) src(%dma_wait3A_396 : memref<64xf32, #tpu.memory_space<hbm>>) dst(%arg28 : memref<64xf32, #tpu.memory_space<vmem>>)
        tpu.yield
      }) : () -> ()
      %swap3A = arith.constant 0 : index
      %swap3A_18 = tpu.vector_load %arg16[%swap3A] {strides = array<i32>} : memref<32xi32, #tpu.memory_space<vmem>>, vector<16xi32>,
      tpu.vector_store %arg16[%swap3A], %broadcast_in_dim3A_0 {strides = array<i32>} : memref<32xi32, #tpu.memory_space<vmem>>, vector<16xi32>,
      %swap3A_19 = arith.constant 16 : index
      %swap3A_20 = tpu.vector_load %arg16[%swap3A_19] {strides = array<i32>} : memref<32xi32, #tpu.memory_space<vmem>>, vector<16xi32>,
      tpu.vector_store %arg16[%swap3A_19], %broadcast_in_dim3A_0 {strides = array<i32>} : memref<32xi32, #tpu.memory_space<vmem>>, vector<16xi32>,
      %swap3A_21 = arith.constant 0 : index
      %swap3A_22 = tpu.vector_load %arg17[%swap3A_21] {strides = array<i32>} : memref<32xi32, #tpu.memory_space<vmem>>, vector<16xi32>,
      tpu.vector_store %arg17[%swap3A_21], %broadcast_in_dim3A_0 {strides = array<i32>} : memref<32xi32, #tpu.memory_space<vmem>>, vector<16xi32>,
      %swap3A_23 = arith.constant 16 : index
      %swap3A_24 = tpu.vector_load %arg17[%swap3A_23] {strides = array<i32>} : memref<32xi32, #tpu.memory_space<vmem>>, vector<16xi32>,
      tpu.vector_store %arg17[%swap3A_23], %broadcast_in_dim3A_0 {strides = array<i32>} : memref<32xi32, #tpu.memory_space<vmem>>, vector<16xi32>,
      %scan3A_25 = arith.constant -3.000000e+38 : f32
      %scan3A_26 = arith.constant 0 : i32
      %scan3A_27 = arith.constant 31 : i32
      %scan3A_28 = arith.addi %scan3A_26, %scan3A_27 : i32
      %scan3A_29 = arith.constant 1 : i32
      %scan3A_30 = scf.for %scan3A_385 = %scan3A_26 to %scan3A_28 step %scan3A_29 iter_args(%scan3A_386 = %scan3A_25) -> (f32)  : i32 {
        %broadcast_in_dim3A_387 = arith.constant -3.000000e+38 : f32
        %broadcast_in_dim3A_388 = vector.broadcast %broadcast_in_dim3A_387 : f32 to vector<16xf32>
        %get3A_389 = arith.constant 0 : i32
        %get3A_390 = arith.index_cast %get3A_389 : i32 to index
        %get3A_391 = arith.constant 0 : index
        %get3A_392 = tpu.vector_load %arg15[%get3A_390, %get3A_391] {strides = array<i32>} : memref<8x32xf32, #tpu.memory_space<vmem>>, vector<16xf32>,
        %max3A_393 = arith.maximumf %broadcast_in_dim3A_388, %get3A_392 : vector<16xf32>
        %get3A_394 = arith.constant 0 : i32
        %get3A_395 = arith.index_cast %get3A_394 : i32 to index
        %get3A_396 = arith.constant 16 : index
        %get3A_397 = tpu.vector_load %arg15[%get3A_395, %get3A_396] {strides = array<i32>} : memref<8x32xf32, #tpu.memory_space<vmem>>, vector<16xf32>,
        %max3A_398 = arith.maximumf %max3A_393, %get3A_397 : vector<16xf32>
        %get3A_399 = arith.constant 1 : i32
        %get3A_400 = arith.index_cast %get3A_399 : i32 to index
        %get3A_401 = arith.constant 0 : index
        %get3A_402 = tpu.vector_load %arg15[%get3A_400, %get3A_401] {strides = array<i32>} : memref<8x32xf32, #tpu.memory_space<vmem>>, vector<16xf32>,
        %max3A_403 = arith.maximumf %max3A_398, %get3A_402 : vector<16xf32>
        %get3A_404 = arith.constant 1 : i32
        %get3A_405 = arith.index_cast %get3A_404 : i32 to index
        %get3A_406 = arith.constant 16 : index
        %get3A_407 = tpu.vector_load %arg15[%get3A_405, %get3A_406] {strides = array<i32>} : memref<8x32xf32, #tpu.memory_space<vmem>>, vector<16xf32>,
        %max3A_408 = arith.maximumf %max3A_403, %get3A_407 : vector<16xf32>
        %get3A_409 = arith.constant 2 : i32
        %get3A_410 = arith.index_cast %get3A_409 : i32 to index
        %get3A_411 = arith.constant 0 : index
        %get3A_412 = tpu.vector_load %arg15[%get3A_410, %get3A_411] {strides = array<i32>} : memref<8x32xf32, #tpu.memory_space<vmem>>, vector<16xf32>,
        %max3A_413 = arith.maximumf %max3A_408, %get3A_412 : vector<16xf32>
        %get3A_414 = arith.constant 2 : i32
        %get3A_415 = arith.index_cast %get3A_414 : i32 to index
        %get3A_416 = arith.constant 16 : index
        %get3A_417 = tpu.vector_load %arg15[%get3A_415, %get3A_416] {strides = array<i32>} : memref<8x32xf32, #tpu.memory_space<vmem>>, vector<16xf32>,
        %max3A_418 = arith.maximumf %max3A_413, %get3A_417 : vector<16xf32>
        %get3A_419 = arith.constant 3 : i32
        %get3A_420 = arith.index_cast %get3A_419 : i32 to index
        %get3A_421 = arith.constant 0 : index
        %get3A_422 = tpu.vector_load %arg15[%get3A_420, %get3A_421] {strides = array<i32>} : memref<8x32xf32, #tpu.memory_space<vmem>>, vector<16xf32>,
        %max3A_423 = arith.maximumf %max3A_418, %get3A_422 : vector<16xf32>
        %get3A_424 = arith.constant 3 : i32
        %get3A_425 = arith.index_cast %get3A_424 : i32 to index
        %get3A_426 = arith.constant 16 : index
        %get3A_427 = tpu.vector_load %arg15[%get3A_425, %get3A_426] {strides = array<i32>} : memref<8x32xf32, #tpu.memory_space<vmem>>, vector<16xf32>,
        %max3A_428 = arith.maximumf %max3A_423, %get3A_427 : vector<16xf32>
        %get3A_429 = arith.constant 4 : i32
        %get3A_430 = arith.index_cast %get3A_429 : i32 to index
        %get3A_431 = arith.constant 0 : index
        %get3A_432 = tpu.vector_load %arg15[%get3A_430, %get3A_431] {strides = array<i32>} : memref<8x32xf32, #tpu.memory_space<vmem>>, vector<16xf32>,
        %max3A_433 = arith.maximumf %max3A_428, %get3A_432 : vector<16xf32>
        %get3A_434 = arith.constant 4 : i32
        %get3A_435 = arith.index_cast %get3A_434 : i32 to index
        %get3A_436 = arith.constant 16 : index
        %get3A_437 = tpu.vector_load %arg15[%get3A_435, %get3A_436] {strides = array<i32>} : memref<8x32xf32, #tpu.memory_space<vmem>>, vector<16xf32>,
        %max3A_438 = arith.maximumf %max3A_433, %get3A_437 : vector<16xf32>
        %get3A_439 = arith.constant 5 : i32
        %get3A_440 = arith.index_cast %get3A_439 : i32 to index
        %get3A_441 = arith.constant 0 : index
        %get3A_442 = tpu.vector_load %arg15[%get3A_440, %get3A_441] {strides = array<i32>} : memref<8x32xf32, #tpu.memory_space<vmem>>, vector<16xf32>,
        %max3A_443 = arith.maximumf %max3A_438, %get3A_442 : vector<16xf32>
        %get3A_444 = arith.constant 5 : i32
        %get3A_445 = arith.index_cast %get3A_444 : i32 to index
        %get3A_446 = arith.constant 16 : index
        %get3A_447 = tpu.vector_load %arg15[%get3A_445, %get3A_446] {strides = array<i32>} : memref<8x32xf32, #tpu.memory_space<vmem>>, vector<16xf32>,
        %max3A_448 = arith.maximumf %max3A_443, %get3A_447 : vector<16xf32>
        %get3A_449 = arith.constant 6 : i32
        %get3A_450 = arith.index_cast %get3A_449 : i32 to index
        %get3A_451 = arith.constant 0 : index
        %get3A_452 = tpu.vector_load %arg15[%get3A_450, %get3A_451] {strides = array<i32>} : memref<8x32xf32, #tpu.memory_space<vmem>>, vector<16xf32>,
        %max3A_453 = arith.maximumf %max3A_448, %get3A_452 : vector<16xf32>
        %get3A_454 = arith.constant 6 : i32
        %get3A_455 = arith.index_cast %get3A_454 : i32 to index
        %get3A_456 = arith.constant 16 : index
        %get3A_457 = tpu.vector_load %arg15[%get3A_455, %get3A_456] {strides = array<i32>} : memref<8x32xf32, #tpu.memory_space<vmem>>, vector<16xf32>,
        %max3A_458 = arith.maximumf %max3A_453, %get3A_457 : vector<16xf32>
        %get3A_459 = arith.constant 7 : i32
        %get3A_460 = arith.index_cast %get3A_459 : i32 to index
        %get3A_461 = arith.constant 0 : index
        %get3A_462 = tpu.vector_load %arg15[%get3A_460, %get3A_461] {strides = array<i32>} : memref<8x32xf32, #tpu.memory_space<vmem>>, vector<16xf32>,
        %max3A_463 = arith.maximumf %max3A_458, %get3A_462 : vector<16xf32>
        %get3A_464 = arith.constant 7 : i32
        %get3A_465 = arith.index_cast %get3A_464 : i32 to index
        %get3A_466 = arith.constant 16 : index
        %get3A_467 = tpu.vector_load %arg15[%get3A_465, %get3A_466] {strides = array<i32>} : memref<8x32xf32, #tpu.memory_space<vmem>>, vector<16xf32>,
        %max3A_468 = arith.maximumf %max3A_463, %get3A_467 : vector<16xf32>
        %reduce_max3A = arith.constant true
        %reduce_max3A_469 = vector.broadcast %reduce_max3A : i1 to vector<16xi1>
        %reduce_max3A_470 = tpu.scan <max>, %max3A_468 masked %reduce_max3A_469 : vector<16xf32>, vector<16xi1> -> vector<16xf32>
        %reduce_max3A_471 = vector.extract %reduce_max3A_470[15] : f32 from vector<16xf32>
        %broadcast_in_dim3A_472 = arith.constant -1 : i32
        %broadcast_in_dim3A_473 = vector.broadcast %broadcast_in_dim3A_472 : i32 to vector<16xi32>
        %get3A_474 = arith.constant 0 : i32
        %get3A_475 = arith.index_cast %get3A_474 : i32 to index
        %get3A_476 = arith.constant 0 : index
        %get3A_477 = tpu.vector_load %arg15[%get3A_475, %get3A_476] {strides = array<i32>} : memref<8x32xf32, #tpu.memory_space<vmem>>, vector<16xf32>,
        %eq3A = vector.broadcast %reduce_max3A_471 : f32 to vector<16xf32>
        %eq3A_478 = arith.cmpf oeq, %get3A_477, %eq3A : vector<16xf32>
        %add3A_479 = arith.constant 0 : i32
        %add3A_480 = vector.broadcast %add3A_479 : i32 to vector<16xi32>
        %add3A_481 = arith.addi %iota3A, %add3A_480 : vector<16xi32>
        %jit3A_482 = arith.constant -1 : i32
        %broadcast_in_dim3A_483 = vector.broadcast %jit3A_482 : i32 to vector<16xi32>
        %select_n3A_484 = arith.select %eq3A_478, %add3A_481, %broadcast_in_dim3A_483 : vector<16xi1>, vector<16xi32>
        %max3A_485 = arith.maxsi %broadcast_in_dim3A_473, %select_n3A_484 : vector<16xi32>
        %get3A_486 = arith.constant 0 : i32
        %get3A_487 = arith.index_cast %get3A_486 : i32 to index
        %get3A_488 = arith.constant 16 : index
        %get3A_489 = tpu.vector_load %arg15[%get3A_487, %get3A_488] {strides = array<i32>} : memref<8x32xf32, #tpu.memory_space<vmem>>, vector<16xf32>,
        %eq3A_490 = vector.broadcast %reduce_max3A_471 : f32 to vector<16xf32>
        %eq3A_491 = arith.cmpf oeq, %get3A_489, %eq3A_490 : vector<16xf32>
        %add3A_492 = arith.constant 16 : i32
        %add3A_493 = vector.broadcast %add3A_492 : i32 to vector<16xi32>
        %add3A_494 = arith.addi %iota3A, %add3A_493 : vector<16xi32>
        %jit3A_495 = arith.constant -1 : i32
        %broadcast_in_dim3A_496 = vector.broadcast %jit3A_495 : i32 to vector<16xi32>
        %select_n3A_497 = arith.select %eq3A_491, %add3A_494, %broadcast_in_dim3A_496 : vector<16xi1>, vector<16xi32>
        %max3A_498 = arith.maxsi %max3A_485, %select_n3A_497 : vector<16xi32>
        %get3A_499 = arith.constant 1 : i32
        %get3A_500 = arith.index_cast %get3A_499 : i32 to index
        %get3A_501 = arith.constant 0 : index
        %get3A_502 = tpu.vector_load %arg15[%get3A_500, %get3A_501] {strides = array<i32>} : memref<8x32xf32, #tpu.memory_space<vmem>>, vector<16xf32>,
        %eq3A_503 = vector.broadcast %reduce_max3A_471 : f32 to vector<16xf32>
        %eq3A_504 = arith.cmpf oeq, %get3A_502, %eq3A_503 : vector<16xf32>
        %add3A_505 = arith.constant 32 : i32
        %add3A_506 = vector.broadcast %add3A_505 : i32 to vector<16xi32>
        %add3A_507 = arith.addi %iota3A, %add3A_506 : vector<16xi32>
        %jit3A_508 = arith.constant -1 : i32
        %broadcast_in_dim3A_509 = vector.broadcast %jit3A_508 : i32 to vector<16xi32>
        %select_n3A_510 = arith.select %eq3A_504, %add3A_507, %broadcast_in_dim3A_509 : vector<16xi1>, vector<16xi32>
        %max3A_511 = arith.maxsi %max3A_498, %select_n3A_510 : vector<16xi32>
        %get3A_512 = arith.constant 1 : i32
        %get3A_513 = arith.index_cast %get3A_512 : i32 to index
        %get3A_514 = arith.constant 16 : index
        %get3A_515 = tpu.vector_load %arg15[%get3A_513, %get3A_514] {strides = array<i32>} : memref<8x32xf32, #tpu.memory_space<vmem>>, vector<16xf32>,
        %eq3A_516 = vector.broadcast %reduce_max3A_471 : f32 to vector<16xf32>
        %eq3A_517 = arith.cmpf oeq, %get3A_515, %eq3A_516 : vector<16xf32>
        %add3A_518 = arith.constant 48 : i32
        %add3A_519 = vector.broadcast %add3A_518 : i32 to vector<16xi32>
        %add3A_520 = arith.addi %iota3A, %add3A_519 : vector<16xi32>
        %jit3A_521 = arith.constant -1 : i32
        %broadcast_in_dim3A_522 = vector.broadcast %jit3A_521 : i32 to vector<16xi32>
        %select_n3A_523 = arith.select %eq3A_517, %add3A_520, %broadcast_in_dim3A_522 : vector<16xi1>, vector<16xi32>
        %max3A_524 = arith.maxsi %max3A_511, %select_n3A_523 : vector<16xi32>
        %get3A_525 = arith.constant 2 : i32
        %get3A_526 = arith.index_cast %get3A_525 : i32 to index
        %get3A_527 = arith.constant 0 : index
        %get3A_528 = tpu.vector_load %arg15[%get3A_526, %get3A_527] {strides = array<i32>} : memref<8x32xf32, #tpu.memory_space<vmem>>, vector<16xf32>,
        %eq3A_529 = vector.broadcast %reduce_max3A_471 : f32 to vector<16xf32>
        %eq3A_530 = arith.cmpf oeq, %get3A_528, %eq3A_529 : vector<16xf32>
        %add3A_531 = arith.constant 64 : i32
        %add3A_532 = vector.broadcast %add3A_531 : i32 to vector<16xi32>
        %add3A_533 = arith.addi %iota3A, %add3A_532 : vector<16xi32>
        %jit3A_534 = arith.constant -1 : i32
        %broadcast_in_dim3A_535 = vector.broadcast %jit3A_534 : i32 to vector<16xi32>
        %select_n3A_536 = arith.select %eq3A_530, %add3A_533, %broadcast_in_dim3A_535 : vector<16xi1>, vector<16xi32>
        %max3A_537 = arith.maxsi %max3A_524, %select_n3A_536 : vector<16xi32>
        %get3A_538 = arith.constant 2 : i32
        %get3A_539 = arith.index_cast %get3A_538 : i32 to index
        %get3A_540 = arith.constant 16 : index
        %get3A_541 = tpu.vector_load %arg15[%get3A_539, %get3A_540] {strides = array<i32>} : memref<8x32xf32, #tpu.memory_space<vmem>>, vector<16xf32>,
        %eq3A_542 = vector.broadcast %reduce_max3A_471 : f32 to vector<16xf32>
        %eq3A_543 = arith.cmpf oeq, %get3A_541, %eq3A_542 : vector<16xf32>
        %add3A_544 = arith.constant 80 : i32
        %add3A_545 = vector.broadcast %add3A_544 : i32 to vector<16xi32>
        %add3A_546 = arith.addi %iota3A, %add3A_545 : vector<16xi32>
        %jit3A_547 = arith.constant -1 : i32
        %broadcast_in_dim3A_548 = vector.broadcast %jit3A_547 : i32 to vector<16xi32>
        %select_n3A_549 = arith.select %eq3A_543, %add3A_546, %broadcast_in_dim3A_548 : vector<16xi1>, vector<16xi32>
        %max3A_550 = arith.maxsi %max3A_537, %select_n3A_549 : vector<16xi32>
        %get3A_551 = arith.constant 3 : i32
        %get3A_552 = arith.index_cast %get3A_551 : i32 to index
        %get3A_553 = arith.constant 0 : index
        %get3A_554 = tpu.vector_load %arg15[%get3A_552, %get3A_553] {strides = array<i32>} : memref<8x32xf32, #tpu.memory_space<vmem>>, vector<16xf32>,
        %eq3A_555 = vector.broadcast %reduce_max3A_471 : f32 to vector<16xf32>
        %eq3A_556 = arith.cmpf oeq, %get3A_554, %eq3A_555 : vector<16xf32>
        %add3A_557 = arith.constant 96 : i32
        %add3A_558 = vector.broadcast %add3A_557 : i32 to vector<16xi32>
        %add3A_559 = arith.addi %iota3A, %add3A_558 : vector<16xi32>
        %jit3A_560 = arith.constant -1 : i32
        %broadcast_in_dim3A_561 = vector.broadcast %jit3A_560 : i32 to vector<16xi32>
        %select_n3A_562 = arith.select %eq3A_556, %add3A_559, %broadcast_in_dim3A_561 : vector<16xi1>, vector<16xi32>
        %max3A_563 = arith.maxsi %max3A_550, %select_n3A_562 : vector<16xi32>
        %get3A_564 = arith.constant 3 : i32
        %get3A_565 = arith.index_cast %get3A_564 : i32 to index
        %get3A_566 = arith.constant 16 : index
        %get3A_567 = tpu.vector_load %arg15[%get3A_565, %get3A_566] {strides = array<i32>} : memref<8x32xf32, #tpu.memory_space<vmem>>, vector<16xf32>,
        %eq3A_568 = vector.broadcast %reduce_max3A_471 : f32 to vector<16xf32>
        %eq3A_569 = arith.cmpf oeq, %get3A_567, %eq3A_568 : vector<16xf32>
        %add3A_570 = arith.constant 112 : i32
        %add3A_571 = vector.broadcast %add3A_570 : i32 to vector<16xi32>
        %add3A_572 = arith.addi %iota3A, %add3A_571 : vector<16xi32>
        %jit3A_573 = arith.constant -1 : i32
        %broadcast_in_dim3A_574 = vector.broadcast %jit3A_573 : i32 to vector<16xi32>
        %select_n3A_575 = arith.select %eq3A_569, %add3A_572, %broadcast_in_dim3A_574 : vector<16xi1>, vector<16xi32>
        %max3A_576 = arith.maxsi %max3A_563, %select_n3A_575 : vector<16xi32>
        %get3A_577 = arith.constant 4 : i32
        %get3A_578 = arith.index_cast %get3A_577 : i32 to index
        %get3A_579 = arith.constant 0 : index
        %get3A_580 = tpu.vector_load %arg15[%get3A_578, %get3A_579] {strides = array<i32>} : memref<8x32xf32, #tpu.memory_space<vmem>>, vector<16xf32>,
        %eq3A_581 = vector.broadcast %reduce_max3A_471 : f32 to vector<16xf32>
        %eq3A_582 = arith.cmpf oeq, %get3A_580, %eq3A_581 : vector<16xf32>
        %add3A_583 = arith.constant 128 : i32
        %add3A_584 = vector.broadcast %add3A_583 : i32 to vector<16xi32>
        %add3A_585 = arith.addi %iota3A, %add3A_584 : vector<16xi32>
        %jit3A_586 = arith.constant -1 : i32
        %broadcast_in_dim3A_587 = vector.broadcast %jit3A_586 : i32 to vector<16xi32>
        %select_n3A_588 = arith.select %eq3A_582, %add3A_585, %broadcast_in_dim3A_587 : vector<16xi1>, vector<16xi32>
        %max3A_589 = arith.maxsi %max3A_576, %select_n3A_588 : vector<16xi32>
        %get3A_590 = arith.constant 4 : i32
        %get3A_591 = arith.index_cast %get3A_590 : i32 to index
        %get3A_592 = arith.constant 16 : index
        %get3A_593 = tpu.vector_load %arg15[%get3A_591, %get3A_592] {strides = array<i32>} : memref<8x32xf32, #tpu.memory_space<vmem>>, vector<16xf32>,
        %eq3A_594 = vector.broadcast %reduce_max3A_471 : f32 to vector<16xf32>
        %eq3A_595 = arith.cmpf oeq, %get3A_593, %eq3A_594 : vector<16xf32>
        %add3A_596 = arith.constant 144 : i32
        %add3A_597 = vector.broadcast %add3A_596 : i32 to vector<16xi32>
        %add3A_598 = arith.addi %iota3A, %add3A_597 : vector<16xi32>
        %jit3A_599 = arith.constant -1 : i32
        %broadcast_in_dim3A_600 = vector.broadcast %jit3A_599 : i32 to vector<16xi32>
        %select_n3A_601 = arith.select %eq3A_595, %add3A_598, %broadcast_in_dim3A_600 : vector<16xi1>, vector<16xi32>
        %max3A_602 = arith.maxsi %max3A_589, %select_n3A_601 : vector<16xi32>
        %get3A_603 = arith.constant 5 : i32
        %get3A_604 = arith.index_cast %get3A_603 : i32 to index
        %get3A_605 = arith.constant 0 : index
        %get3A_606 = tpu.vector_load %arg15[%get3A_604, %get3A_605] {strides = array<i32>} : memref<8x32xf32, #tpu.memory_space<vmem>>, vector<16xf32>,
        %eq3A_607 = vector.broadcast %reduce_max3A_471 : f32 to vector<16xf32>
        %eq3A_608 = arith.cmpf oeq, %get3A_606, %eq3A_607 : vector<16xf32>
        %add3A_609 = arith.constant 160 : i32
        %add3A_610 = vector.broadcast %add3A_609 : i32 to vector<16xi32>
        %add3A_611 = arith.addi %iota3A, %add3A_610 : vector<16xi32>
        %jit3A_612 = arith.constant -1 : i32
        %broadcast_in_dim3A_613 = vector.broadcast %jit3A_612 : i32 to vector<16xi32>
        %select_n3A_614 = arith.select %eq3A_608, %add3A_611, %broadcast_in_dim3A_613 : vector<16xi1>, vector<16xi32>
        %max3A_615 = arith.maxsi %max3A_602, %select_n3A_614 : vector<16xi32>
        %get3A_616 = arith.constant 5 : i32
        %get3A_617 = arith.index_cast %get3A_616 : i32 to index
        %get3A_618 = arith.constant 16 : index
        %get3A_619 = tpu.vector_load %arg15[%get3A_617, %get3A_618] {strides = array<i32>} : memref<8x32xf32, #tpu.memory_space<vmem>>, vector<16xf32>,
        %eq3A_620 = vector.broadcast %reduce_max3A_471 : f32 to vector<16xf32>
        %eq3A_621 = arith.cmpf oeq, %get3A_619, %eq3A_620 : vector<16xf32>
        %add3A_622 = arith.constant 176 : i32
        %add3A_623 = vector.broadcast %add3A_622 : i32 to vector<16xi32>
        %add3A_624 = arith.addi %iota3A, %add3A_623 : vector<16xi32>
        %jit3A_625 = arith.constant -1 : i32
        %broadcast_in_dim3A_626 = vector.broadcast %jit3A_625 : i32 to vector<16xi32>
        %select_n3A_627 = arith.select %eq3A_621, %add3A_624, %broadcast_in_dim3A_626 : vector<16xi1>, vector<16xi32>
        %max3A_628 = arith.maxsi %max3A_615, %select_n3A_627 : vector<16xi32>
        %get3A_629 = arith.constant 6 : i32
        %get3A_630 = arith.index_cast %get3A_629 : i32 to index
        %get3A_631 = arith.constant 0 : index
        %get3A_632 = tpu.vector_load %arg15[%get3A_630, %get3A_631] {strides = array<i32>} : memref<8x32xf32, #tpu.memory_space<vmem>>, vector<16xf32>,
        %eq3A_633 = vector.broadcast %reduce_max3A_471 : f32 to vector<16xf32>
        %eq3A_634 = arith.cmpf oeq, %get3A_632, %eq3A_633 : vector<16xf32>
        %add3A_635 = arith.constant 192 : i32
        %add3A_636 = vector.broadcast %add3A_635 : i32 to vector<16xi32>
        %add3A_637 = arith.addi %iota3A, %add3A_636 : vector<16xi32>
        %jit3A_638 = arith.constant -1 : i32
        %broadcast_in_dim3A_639 = vector.broadcast %jit3A_638 : i32 to vector<16xi32>
        %select_n3A_640 = arith.select %eq3A_634, %add3A_637, %broadcast_in_dim3A_639 : vector<16xi1>, vector<16xi32>
        %max3A_641 = arith.maxsi %max3A_628, %select_n3A_640 : vector<16xi32>
        %get3A_642 = arith.constant 6 : i32
        %get3A_643 = arith.index_cast %get3A_642 : i32 to index
        %get3A_644 = arith.constant 16 : index
        %get3A_645 = tpu.vector_load %arg15[%get3A_643, %get3A_644] {strides = array<i32>} : memref<8x32xf32, #tpu.memory_space<vmem>>, vector<16xf32>,
        %eq3A_646 = vector.broadcast %reduce_max3A_471 : f32 to vector<16xf32>
        %eq3A_647 = arith.cmpf oeq, %get3A_645, %eq3A_646 : vector<16xf32>
        %add3A_648 = arith.constant 208 : i32
        %add3A_649 = vector.broadcast %add3A_648 : i32 to vector<16xi32>
        %add3A_650 = arith.addi %iota3A, %add3A_649 : vector<16xi32>
        %jit3A_651 = arith.constant -1 : i32
        %broadcast_in_dim3A_652 = vector.broadcast %jit3A_651 : i32 to vector<16xi32>
        %select_n3A_653 = arith.select %eq3A_647, %add3A_650, %broadcast_in_dim3A_652 : vector<16xi1>, vector<16xi32>
        %max3A_654 = arith.maxsi %max3A_641, %select_n3A_653 : vector<16xi32>
        %get3A_655 = arith.constant 7 : i32
        %get3A_656 = arith.index_cast %get3A_655 : i32 to index
        %get3A_657 = arith.constant 0 : index
        %get3A_658 = tpu.vector_load %arg15[%get3A_656, %get3A_657] {strides = array<i32>} : memref<8x32xf32, #tpu.memory_space<vmem>>, vector<16xf32>,
        %eq3A_659 = vector.broadcast %reduce_max3A_471 : f32 to vector<16xf32>
        %eq3A_660 = arith.cmpf oeq, %get3A_658, %eq3A_659 : vector<16xf32>
        %add3A_661 = arith.constant 224 : i32
        %add3A_662 = vector.broadcast %add3A_661 : i32 to vector<16xi32>
        %add3A_663 = arith.addi %iota3A, %add3A_662 : vector<16xi32>
        %jit3A_664 = arith.constant -1 : i32
        %broadcast_in_dim3A_665 = vector.broadcast %jit3A_664 : i32 to vector<16xi32>
        %select_n3A_666 = arith.select %eq3A_660, %add3A_663, %broadcast_in_dim3A_665 : vector<16xi1>, vector<16xi32>
        %max3A_667 = arith.maxsi %max3A_654, %select_n3A_666 : vector<16xi32>
        %get3A_668 = arith.constant 7 : i32
        %get3A_669 = arith.index_cast %get3A_668 : i32 to index
        %get3A_670 = arith.constant 16 : index
        %get3A_671 = tpu.vector_load %arg15[%get3A_669, %get3A_670] {strides = array<i32>} : memref<8x32xf32, #tpu.memory_space<vmem>>, vector<16xf32>,
        %eq3A_672 = vector.broadcast %reduce_max3A_471 : f32 to vector<16xf32>
        %eq3A_673 = arith.cmpf oeq, %get3A_671, %eq3A_672 : vector<16xf32>
        %add3A_674 = arith.constant 240 : i32
        %add3A_675 = vector.broadcast %add3A_674 : i32 to vector<16xi32>
        %add3A_676 = arith.addi %iota3A, %add3A_675 : vector<16xi32>
        %jit3A_677 = arith.constant -1 : i32
        %broadcast_in_dim3A_678 = vector.broadcast %jit3A_677 : i32 to vector<16xi32>
        %select_n3A_679 = arith.select %eq3A_673, %add3A_676, %broadcast_in_dim3A_678 : vector<16xi1>, vector<16xi32>
        %max3A_680 = arith.maxsi %max3A_667, %select_n3A_679 : vector<16xi32>
        %reduce_max3A_681 = arith.constant true
        %reduce_max3A_682 = vector.broadcast %reduce_max3A_681 : i1 to vector<16xi1>
        %reduce_max3A_683 = arith.constant -2147483648 : i32
        %reduce_max3A_684 = vector.broadcast %reduce_max3A_683 : i32 to vector<16xi32>
        %reduce_max3A_685 = arith.xori %max3A_680, %reduce_max3A_684 : vector<16xi32>
        %reduce_max3A_686 = tpu.scan <max>, %reduce_max3A_685 masked %reduce_max3A_682 : vector<16xi32>, vector<16xi1> -> vector<16xi32>
        %reduce_max3A_687 = arith.xori %reduce_max3A_686, %reduce_max3A_684 : vector<16xi32>
        %reduce_max3A_688 = vector.extract %reduce_max3A_687[15] : i32 from vector<16xi32>
        %jit3A_689 = arith.constant 32 : i32
        %div3A_690 = arith.divsi %reduce_max3A_688, %jit3A_689 : i32
        %sign3A_691 = arith.constant 0 : i32
        %sign3A_692 = arith.cmpi sgt, %reduce_max3A_688, %sign3A_691 : i32
        %sign3A_693 = arith.extui %sign3A_692 : i1 to i32
        %sign3A_694 = arith.constant 0 : i32
        %sign3A_695 = arith.cmpi slt, %reduce_max3A_688, %sign3A_694 : i32
        %sign3A_696 = arith.extui %sign3A_695 : i1 to i32
        %sign3A_697 = arith.subi %sign3A_693, %sign3A_696 : i32
        %sign3A_698 = arith.constant 0 : i32
        %sign3A_699 = arith.cmpi sgt, %jit3A_689, %sign3A_698 : i32
        %sign3A_700 = arith.extui %sign3A_699 : i1 to i32
        %sign3A_701 = arith.constant 0 : i32
        %sign3A_702 = arith.cmpi slt, %jit3A_689, %sign3A_701 : i32
        %sign3A_703 = arith.extui %sign3A_702 : i1 to i32
        %sign3A_704 = arith.subi %sign3A_700, %sign3A_703 : i32
        %ne3A_705 = arith.cmpi ne, %sign3A_697, %sign3A_704 : i32
        %rem3A_706 = arith.remsi %reduce_max3A_688, %jit3A_689 : i32
        %ne3A_707 = arith.constant 0 : i32
        %ne3A_708 = arith.cmpi ne, %rem3A_706, %ne3A_707 : i32
        %and3A_709 = arith.andi %ne3A_705, %ne3A_708 : i1
        %sub3A_710 = arith.constant 1 : i32
        %sub3A_711 = arith.subi %div3A_690, %sub3A_710 : i32
        %select_n3A_712 = arith.select %and3A_709, %sub3A_711, %div3A_690 : i32
        %add3A_713 = vector.broadcast %select_n3A_712 : i32 to vector<16xi32>
        %add3A_714 = arith.addi %broadcast_in_dim3A_0, %add3A_713 : vector<16xi32>
        %jit3A_715 = arith.constant 32 : i32
        %eq3A_716 = arith.constant 0 : i32
        %eq3A_717 = arith.cmpi eq, %jit3A_715, %eq3A_716 : i32
        %jit3A_718 = arith.constant 1 : i32
        %select_n3A_719 = arith.select %eq3A_717, %jit3A_718, %jit3A_715 : i32
        %rem3A_720 = arith.remsi %reduce_max3A_688, %select_n3A_719 : i32
        %ne3A_721 = arith.constant 0 : i32
        %ne3A_722 = arith.cmpi ne, %rem3A_720, %ne3A_721 : i32
        %lt3A_723 = arith.constant 0 : i32
        %lt3A_724 = arith.cmpi slt, %rem3A_720, %lt3A_723 : i32
        %lt3A_725 = arith.constant 0 : i32
        %lt3A_726 = arith.cmpi slt, %select_n3A_719, %lt3A_725 : i32
        %ne3A_727 = arith.xori %lt3A_724, %lt3A_726 : i1
        %and3A_728 = arith.andi %ne3A_727, %ne3A_722 : i1
        %add3A_729 = arith.addi %rem3A_720, %select_n3A_719 : i32
        %select_n3A_730 = arith.select %and3A_728, %add3A_729, %rem3A_720 : i32
        %add3A_731 = vector.broadcast %select_n3A_730 : i32 to vector<16xi32>
        %add3A_732 = arith.addi %broadcast_in_dim3A_0, %add3A_731 : vector<16xi32>
        %add3A_733 = arith.constant -3.000000e+38 : f32
        %add3A_734 = vector.broadcast %add3A_733 : f32 to vector<16xf32>
        %add3A_735 = arith.addf %broadcast_in_dim3A_2, %add3A_734 : vector<16xf32>
        %eq3A_736 = arith.constant 0 : i32
        %eq3A_737 = vector.broadcast %eq3A_736 : i32 to vector<16xi32>
        %eq3A_738 = arith.cmpi eq, %iota3A, %eq3A_737 : vector<16xi32>
        tpu.vector_store_idx %arg15[%add3A_714, %add3A_732], %add3A_735 masked %eq3A_738 : memref<8x32xf32, #tpu.memory_space<vmem>>[vector<16xi32>, vector<16xi32>], vector<16xf32>, vector<16xi1>
        %add3A_739 = vector.broadcast %scan3A_385 : i32 to vector<16xi32>
        %add3A_740 = arith.addi %broadcast_in_dim3A_0, %add3A_739 : vector<16xi32>
        %mul3A_741 = arith.constant 256 : i32
        %mul3A_742 = arith.muli %add3A_17, %mul3A_741 : i32
        %add3A_743 = arith.addi %mul3A_742, %reduce_max3A_688 : i32
        %add3A_744 = vector.broadcast %add3A_743 : i32 to vector<16xi32>
        %add3A_745 = arith.addi %broadcast_in_dim3A_0, %add3A_744 : vector<16xi32>
        %eq3A_746 = arith.constant 0 : i32
        %eq3A_747 = vector.broadcast %eq3A_746 : i32 to vector<16xi32>
        %eq3A_748 = arith.cmpi eq, %iota3A, %eq3A_747 : vector<16xi32>
        tpu.vector_store_idx %arg16[%add3A_740], %add3A_745 masked %eq3A_748 : memref<32xi32, #tpu.memory_space<vmem>>[vector<16xi32>], vector<16xi32>, vector<16xi1>
        %add3A_749 = vector.broadcast %scan3A_385 : i32 to vector<16xi32>
        %add3A_750 = arith.addi %broadcast_in_dim3A_0, %add3A_749 : vector<16xi32>
        %mul3A_751 = arith.constant 128 : i32
        %mul3A_752 = arith.muli %reduce_max3A_688, %mul3A_751 : i32
        %add3A_753 = vector.broadcast %mul3A_752 : i32 to vector<16xi32>
        %add3A_754 = arith.addi %broadcast_in_dim3A_0, %add3A_753 : vector<16xi32>
        %eq3A_755 = arith.constant 0 : i32
        %eq3A_756 = vector.broadcast %eq3A_755 : i32 to vector<16xi32>
        %eq3A_757 = arith.cmpi eq, %iota3A, %eq3A_756 : vector<16xi32>
        tpu.vector_store_idx %arg17[%add3A_750], %add3A_754 masked %eq3A_757 : memref<32xi32, #tpu.memory_space<vmem>>[vector<16xi32>], vector<16xi32>, vector<16xi1>
        scf.yield %reduce_max3A_471 : f32
      }
      %scan3A_31 = arith.constant 31 : i32
      %dma_start3A_32 = arith.constant 0 : i32
      %dma_start3A_33 = arith.constant 0 : i32
      %dma_start3A_34 = tpu.memref_slice %arg3[%dma_start3A_32, %dma_start3A_33] : memref<32768x128xf32, #tpu.memory_space<hbm>> -> memref<32768x128xf32, #tpu.memory_space<hbm>>
      tpu.enqueue_indirect_dma source(%dma_start3A_34 : memref<32768x128xf32, #tpu.memory_space<hbm>>) target(%arg18 : memref<32x128xf32, #tpu.memory_space<vmem>>) offsets(%arg16 : memref<32xi32, #tpu.memory_space<vmem>>) semaphore(%arg34 : memref<!tpu.dma_semaphore, #tpu.memory_space<semaphore_mem>>)
      %dma_wait3A = arith.constant 0 : i32
      %dma_wait3A_35 = arith.constant 0 : i32
      %dma_wait3A_36 = tpu.memref_slice %arg3[%dma_wait3A, %dma_wait3A_35] : memref<32768x128xf32, #tpu.memory_space<hbm>> -> memref<32768x128xf32, #tpu.memory_space<hbm>>
      tpu.wait_indirect_dma semaphore(%arg34 : memref<!tpu.dma_semaphore, #tpu.memory_space<semaphore_mem>>) src(%dma_wait3A_36 : memref<32768x128xf32, #tpu.memory_space<hbm>>) dst(%arg18 : memref<32x128xf32, #tpu.memory_space<vmem>>)
      %add3A_37 = vector.broadcast %scan3A_30 : f32 to vector<16xf32>
      %add3A_38 = arith.addf %broadcast_in_dim3A_2, %add3A_37 : vector<16xf32>
      %scan3A_39 = arith.constant 0 : i32
      %scan3A_40 = arith.constant 0 : i32
      %scan3A_41 = arith.constant 31 : i32
      %scan3A_42 = arith.addi %scan3A_40, %scan3A_41 : i32
      %scan3A_43 = arith.constant 1 : i32
      %scan3A_44 = scf.for %scan3A_385 = %scan3A_40 to %scan3A_42 step %scan3A_43 iter_args(%scan3A_386 = %scan3A_39) -> (i32)  : i32 {
        %add3A_387 = vector.broadcast %scan3A_385 : i32 to vector<16xi32>
        %add3A_388 = arith.addi %broadcast_in_dim3A_0, %add3A_387 : vector<16xi32>
        %gather3A_389 = tpu.vector_load_idx %arg17[%add3A_388] : memref<32xi32, #tpu.memory_space<vmem>>[vector<16xi32>], vector<16xi32>,
        %get3A_390 = arith.index_cast %scan3A_385 : i32 to index
        %get3A_391 = arith.constant 0 : index
        %get3A_392 = tpu.vector_load %arg18[%get3A_390, %get3A_391] {strides = array<i32>} : memref<32x128xf32, #tpu.memory_space<vmem>>, vector<16xf32>,
        %ge3A_393 = arith.cmpf oge, %get3A_392, %add3A_38 : vector<16xf32>
        %swap3A_394 = arith.index_cast %scan3A_386 : i32 to index
        %swap3A_395 = tpu.vector_load %arg19[%swap3A_394] masked %ge3A_393 {strides = array<i32>} : memref<3984xf32, #tpu.memory_space<vmem>>, vector<16xf32>, vector<16xi1>
        tpu.vector_store %arg19[%swap3A_394], %get3A_392 masked %ge3A_393 {strides = array<i32>} : memref<3984xf32, #tpu.memory_space<vmem>>, vector<16xf32>, vector<16xi1>
        %add3A_396 = arith.constant 0 : i32
        %add3A_397 = vector.broadcast %add3A_396 : i32 to vector<16xi32>
        %add3A_398 = arith.addi %gather3A_389, %add3A_397 : vector<16xi32>
        %add3A_399 = arith.addi %add3A_398, %iota3A : vector<16xi32>
        %swap3A_400 = arith.index_cast %scan3A_386 : i32 to index
        %swap3A_401 = tpu.vector_load %arg20[%swap3A_400] masked %ge3A_393 {strides = array<i32>} : memref<3984xi32, #tpu.memory_space<vmem>>, vector<16xi32>, vector<16xi1>
        tpu.vector_store %arg20[%swap3A_400], %add3A_399 masked %ge3A_393 {strides = array<i32>} : memref<3984xi32, #tpu.memory_space<vmem>>, vector<16xi32>, vector<16xi1>
        %all_reduce_population_count3A = tpu.all_reduce %ge3A_393 {dim = 0 : i64, kind = #tpu.reduction_kind<sum>} : vector<16xi1> -> vector<16xi32>
        %slice3A = vector.extract_strided_slice %all_reduce_population_count3A {offsets = [0], sizes = [1], strides = [1]} : vector<16xi32> to vector<1xi32>
        %squeeze3A = vector.extract %slice3A[0] : i32 from vector<1xi32>
        %add3A_402 = arith.addi %scan3A_386, %squeeze3A : i32
        %get3A_403 = arith.index_cast %scan3A_385 : i32 to index
        %get3A_404 = arith.constant 16 : index
        %get3A_405 = tpu.vector_load %arg18[%get3A_403, %get3A_404] {strides = array<i32>} : memref<32x128xf32, #tpu.memory_space<vmem>>, vector<16xf32>,
        %ge3A_406 = arith.cmpf oge, %get3A_405, %add3A_38 : vector<16xf32>
        %swap3A_407 = arith.index_cast %add3A_402 : i32 to index
        %swap3A_408 = tpu.vector_load %arg19[%swap3A_407] masked %ge3A_406 {strides = array<i32>} : memref<3984xf32, #tpu.memory_space<vmem>>, vector<16xf32>, vector<16xi1>
        tpu.vector_store %arg19[%swap3A_407], %get3A_405 masked %ge3A_406 {strides = array<i32>} : memref<3984xf32, #tpu.memory_space<vmem>>, vector<16xf32>, vector<16xi1>
        %add3A_409 = arith.constant 16 : i32
        %add3A_410 = vector.broadcast %add3A_409 : i32 to vector<16xi32>
        %add3A_411 = arith.addi %gather3A_389, %add3A_410 : vector<16xi32>
        %add3A_412 = arith.addi %add3A_411, %iota3A : vector<16xi32>
        %swap3A_413 = arith.index_cast %add3A_402 : i32 to index
        %swap3A_414 = tpu.vector_load %arg20[%swap3A_413] masked %ge3A_406 {strides = array<i32>} : memref<3984xi32, #tpu.memory_space<vmem>>, vector<16xi32>, vector<16xi1>
        tpu.vector_store %arg20[%swap3A_413], %add3A_412 masked %ge3A_406 {strides = array<i32>} : memref<3984xi32, #tpu.memory_space<vmem>>, vector<16xi32>, vector<16xi1>
        %all_reduce_population_count3A_415 = tpu.all_reduce %ge3A_406 {dim = 0 : i64, kind = #tpu.reduction_kind<sum>} : vector<16xi1> -> vector<16xi32>
        %slice3A_416 = vector.extract_strided_slice %all_reduce_population_count3A_415 {offsets = [0], sizes = [1], strides = [1]} : vector<16xi32> to vector<1xi32>
        %squeeze3A_417 = vector.extract %slice3A_416[0] : i32 from vector<1xi32>
        %add3A_418 = arith.addi %add3A_402, %squeeze3A_417 : i32
        %get3A_419 = arith.index_cast %scan3A_385 : i32 to index
        %get3A_420 = arith.constant 32 : index
        %get3A_421 = tpu.vector_load %arg18[%get3A_419, %get3A_420] {strides = array<i32>} : memref<32x128xf32, #tpu.memory_space<vmem>>, vector<16xf32>,
        %ge3A_422 = arith.cmpf oge, %get3A_421, %add3A_38 : vector<16xf32>
        %swap3A_423 = arith.index_cast %add3A_418 : i32 to index
        %swap3A_424 = tpu.vector_load %arg19[%swap3A_423] masked %ge3A_422 {strides = array<i32>} : memref<3984xf32, #tpu.memory_space<vmem>>, vector<16xf32>, vector<16xi1>
        tpu.vector_store %arg19[%swap3A_423], %get3A_421 masked %ge3A_422 {strides = array<i32>} : memref<3984xf32, #tpu.memory_space<vmem>>, vector<16xf32>, vector<16xi1>
        %add3A_425 = arith.constant 32 : i32
        %add3A_426 = vector.broadcast %add3A_425 : i32 to vector<16xi32>
        %add3A_427 = arith.addi %gather3A_389, %add3A_426 : vector<16xi32>
        %add3A_428 = arith.addi %add3A_427, %iota3A : vector<16xi32>
        %swap3A_429 = arith.index_cast %add3A_418 : i32 to index
        %swap3A_430 = tpu.vector_load %arg20[%swap3A_429] masked %ge3A_422 {strides = array<i32>} : memref<3984xi32, #tpu.memory_space<vmem>>, vector<16xi32>, vector<16xi1>
        tpu.vector_store %arg20[%swap3A_429], %add3A_428 masked %ge3A_422 {strides = array<i32>} : memref<3984xi32, #tpu.memory_space<vmem>>, vector<16xi32>, vector<16xi1>
        %all_reduce_population_count3A_431 = tpu.all_reduce %ge3A_422 {dim = 0 : i64, kind = #tpu.reduction_kind<sum>} : vector<16xi1> -> vector<16xi32>
        %slice3A_432 = vector.extract_strided_slice %all_reduce_population_count3A_431 {offsets = [0], sizes = [1], strides = [1]} : vector<16xi32> to vector<1xi32>
        %squeeze3A_433 = vector.extract %slice3A_432[0] : i32 from vector<1xi32>
        %add3A_434 = arith.addi %add3A_418, %squeeze3A_433 : i32
        %get3A_435 = arith.index_cast %scan3A_385 : i32 to index
        %get3A_436 = arith.constant 48 : index
        %get3A_437 = tpu.vector_load %arg18[%get3A_435, %get3A_436] {strides = array<i32>} : memref<32x128xf32, #tpu.memory_space<vmem>>, vector<16xf32>,
        %ge3A_438 = arith.cmpf oge, %get3A_437, %add3A_38 : vector<16xf32>
        %swap3A_439 = arith.index_cast %add3A_434 : i32 to index
        %swap3A_440 = tpu.vector_load %arg19[%swap3A_439] masked %ge3A_438 {strides = array<i32>} : memref<3984xf32, #tpu.memory_space<vmem>>, vector<16xf32>, vector<16xi1>
        tpu.vector_store %arg19[%swap3A_439], %get3A_437 masked %ge3A_438 {strides = array<i32>} : memref<3984xf32, #tpu.memory_space<vmem>>, vector<16xf32>, vector<16xi1>
        %add3A_441 = arith.constant 48 : i32
        %add3A_442 = vector.broadcast %add3A_441 : i32 to vector<16xi32>
        %add3A_443 = arith.addi %gather3A_389, %add3A_442 : vector<16xi32>
        %add3A_444 = arith.addi %add3A_443, %iota3A : vector<16xi32>
        %swap3A_445 = arith.index_cast %add3A_434 : i32 to index
        %swap3A_446 = tpu.vector_load %arg20[%swap3A_445] masked %ge3A_438 {strides = array<i32>} : memref<3984xi32, #tpu.memory_space<vmem>>, vector<16xi32>, vector<16xi1>
        tpu.vector_store %arg20[%swap3A_445], %add3A_444 masked %ge3A_438 {strides = array<i32>} : memref<3984xi32, #tpu.memory_space<vmem>>, vector<16xi32>, vector<16xi1>
        %all_reduce_population_count3A_447 = tpu.all_reduce %ge3A_438 {dim = 0 : i64, kind = #tpu.reduction_kind<sum>} : vector<16xi1> -> vector<16xi32>
        %slice3A_448 = vector.extract_strided_slice %all_reduce_population_count3A_447 {offsets = [0], sizes = [1], strides = [1]} : vector<16xi32> to vector<1xi32>
        %squeeze3A_449 = vector.extract %slice3A_448[0] : i32 from vector<1xi32>
        %add3A_450 = arith.addi %add3A_434, %squeeze3A_449 : i32
        %get3A_451 = arith.index_cast %scan3A_385 : i32 to index
        %get3A_452 = arith.constant 64 : index
        %get3A_453 = tpu.vector_load %arg18[%get3A_451, %get3A_452] {strides = array<i32>} : memref<32x128xf32, #tpu.memory_space<vmem>>, vector<16xf32>,
        %ge3A_454 = arith.cmpf oge, %get3A_453, %add3A_38 : vector<16xf32>
        %swap3A_455 = arith.index_cast %add3A_450 : i32 to index
        %swap3A_456 = tpu.vector_load %arg19[%swap3A_455] masked %ge3A_454 {strides = array<i32>} : memref<3984xf32, #tpu.memory_space<vmem>>, vector<16xf32>, vector<16xi1>
        tpu.vector_store %arg19[%swap3A_455], %get3A_453 masked %ge3A_454 {strides = array<i32>} : memref<3984xf32, #tpu.memory_space<vmem>>, vector<16xf32>, vector<16xi1>
        %add3A_457 = arith.constant 64 : i32
        %add3A_458 = vector.broadcast %add3A_457 : i32 to vector<16xi32>
        %add3A_459 = arith.addi %gather3A_389, %add3A_458 : vector<16xi32>
        %add3A_460 = arith.addi %add3A_459, %iota3A : vector<16xi32>
        %swap3A_461 = arith.index_cast %add3A_450 : i32 to index
        %swap3A_462 = tpu.vector_load %arg20[%swap3A_461] masked %ge3A_454 {strides = array<i32>} : memref<3984xi32, #tpu.memory_space<vmem>>, vector<16xi32>, vector<16xi1>
        tpu.vector_store %arg20[%swap3A_461], %add3A_460 masked %ge3A_454 {strides = array<i32>} : memref<3984xi32, #tpu.memory_space<vmem>>, vector<16xi32>, vector<16xi1>
        %all_reduce_population_count3A_463 = tpu.all_reduce %ge3A_454 {dim = 0 : i64, kind = #tpu.reduction_kind<sum>} : vector<16xi1> -> vector<16xi32>
        %slice3A_464 = vector.extract_strided_slice %all_reduce_population_count3A_463 {offsets = [0], sizes = [1], strides = [1]} : vector<16xi32> to vector<1xi32>
        %squeeze3A_465 = vector.extract %slice3A_464[0] : i32 from vector<1xi32>
        %add3A_466 = arith.addi %add3A_450, %squeeze3A_465 : i32
        %get3A_467 = arith.index_cast %scan3A_385 : i32 to index
        %get3A_468 = arith.constant 80 : index
        %get3A_469 = tpu.vector_load %arg18[%get3A_467, %get3A_468] {strides = array<i32>} : memref<32x128xf32, #tpu.memory_space<vmem>>, vector<16xf32>,
        %ge3A_470 = arith.cmpf oge, %get3A_469, %add3A_38 : vector<16xf32>
        %swap3A_471 = arith.index_cast %add3A_466 : i32 to index
        %swap3A_472 = tpu.vector_load %arg19[%swap3A_471] masked %ge3A_470 {strides = array<i32>} : memref<3984xf32, #tpu.memory_space<vmem>>, vector<16xf32>, vector<16xi1>
        tpu.vector_store %arg19[%swap3A_471], %get3A_469 masked %ge3A_470 {strides = array<i32>} : memref<3984xf32, #tpu.memory_space<vmem>>, vector<16xf32>, vector<16xi1>
        %add3A_473 = arith.constant 80 : i32
        %add3A_474 = vector.broadcast %add3A_473 : i32 to vector<16xi32>
        %add3A_475 = arith.addi %gather3A_389, %add3A_474 : vector<16xi32>
        %add3A_476 = arith.addi %add3A_475, %iota3A : vector<16xi32>
        %swap3A_477 = arith.index_cast %add3A_466 : i32 to index
        %swap3A_478 = tpu.vector_load %arg20[%swap3A_477] masked %ge3A_470 {strides = array<i32>} : memref<3984xi32, #tpu.memory_space<vmem>>, vector<16xi32>, vector<16xi1>
        tpu.vector_store %arg20[%swap3A_477], %add3A_476 masked %ge3A_470 {strides = array<i32>} : memref<3984xi32, #tpu.memory_space<vmem>>, vector<16xi32>, vector<16xi1>
        %all_reduce_population_count3A_479 = tpu.all_reduce %ge3A_470 {dim = 0 : i64, kind = #tpu.reduction_kind<sum>} : vector<16xi1> -> vector<16xi32>
        %slice3A_480 = vector.extract_strided_slice %all_reduce_population_count3A_479 {offsets = [0], sizes = [1], strides = [1]} : vector<16xi32> to vector<1xi32>
        %squeeze3A_481 = vector.extract %slice3A_480[0] : i32 from vector<1xi32>
        %add3A_482 = arith.addi %add3A_466, %squeeze3A_481 : i32
        %get3A_483 = arith.index_cast %scan3A_385 : i32 to index
        %get3A_484 = arith.constant 96 : index
        %get3A_485 = tpu.vector_load %arg18[%get3A_483, %get3A_484] {strides = array<i32>} : memref<32x128xf32, #tpu.memory_space<vmem>>, vector<16xf32>,
        %ge3A_486 = arith.cmpf oge, %get3A_485, %add3A_38 : vector<16xf32>
        %swap3A_487 = arith.index_cast %add3A_482 : i32 to index
        %swap3A_488 = tpu.vector_load %arg19[%swap3A_487] masked %ge3A_486 {strides = array<i32>} : memref<3984xf32, #tpu.memory_space<vmem>>, vector<16xf32>, vector<16xi1>
        tpu.vector_store %arg19[%swap3A_487], %get3A_485 masked %ge3A_486 {strides = array<i32>} : memref<3984xf32, #tpu.memory_space<vmem>>, vector<16xf32>, vector<16xi1>
        %add3A_489 = arith.constant 96 : i32
        %add3A_490 = vector.broadcast %add3A_489 : i32 to vector<16xi32>
        %add3A_491 = arith.addi %gather3A_389, %add3A_490 : vector<16xi32>
        %add3A_492 = arith.addi %add3A_491, %iota3A : vector<16xi32>
        %swap3A_493 = arith.index_cast %add3A_482 : i32 to index
        %swap3A_494 = tpu.vector_load %arg20[%swap3A_493] masked %ge3A_486 {strides = array<i32>} : memref<3984xi32, #tpu.memory_space<vmem>>, vector<16xi32>, vector<16xi1>
        tpu.vector_store %arg20[%swap3A_493], %add3A_492 masked %ge3A_486 {strides = array<i32>} : memref<3984xi32, #tpu.memory_space<vmem>>, vector<16xi32>, vector<16xi1>
        %all_reduce_population_count3A_495 = tpu.all_reduce %ge3A_486 {dim = 0 : i64, kind = #tpu.reduction_kind<sum>} : vector<16xi1> -> vector<16xi32>
        %slice3A_496 = vector.extract_strided_slice %all_reduce_population_count3A_495 {offsets = [0], sizes = [1], strides = [1]} : vector<16xi32> to vector<1xi32>
        %squeeze3A_497 = vector.extract %slice3A_496[0] : i32 from vector<1xi32>
        %add3A_498 = arith.addi %add3A_482, %squeeze3A_497 : i32
        %get3A_499 = arith.index_cast %scan3A_385 : i32 to index
        %get3A_500 = arith.constant 112 : index
        %get3A_501 = tpu.vector_load %arg18[%get3A_499, %get3A_500] {strides = array<i32>} : memref<32x128xf32, #tpu.memory_space<vmem>>, vector<16xf32>,
        %ge3A_502 = arith.cmpf oge, %get3A_501, %add3A_38 : vector<16xf32>
        %swap3A_503 = arith.index_cast %add3A_498 : i32 to index
        %swap3A_504 = tpu.vector_load %arg19[%swap3A_503] masked %ge3A_502 {strides = array<i32>} : memref<3984xf32, #tpu.memory_space<vmem>>, vector<16xf32>, vector<16xi1>
        tpu.vector_store %arg19[%swap3A_503], %get3A_501 masked %ge3A_502 {strides = array<i32>} : memref<3984xf32, #tpu.memory_space<vmem>>, vector<16xf32>, vector<16xi1>
        %add3A_505 = arith.constant 112 : i32
        %add3A_506 = vector.broadcast %add3A_505 : i32 to vector<16xi32>
        %add3A_507 = arith.addi %gather3A_389, %add3A_506 : vector<16xi32>
        %add3A_508 = arith.addi %add3A_507, %iota3A : vector<16xi32>
        %swap3A_509 = arith.index_cast %add3A_498 : i32 to index
        %swap3A_510 = tpu.vector_load %arg20[%swap3A_509] masked %ge3A_502 {strides = array<i32>} : memref<3984xi32, #tpu.memory_space<vmem>>, vector<16xi32>, vector<16xi1>
        tpu.vector_store %arg20[%swap3A_509], %add3A_508 masked %ge3A_502 {strides = array<i32>} : memref<3984xi32, #tpu.memory_space<vmem>>, vector<16xi32>, vector<16xi1>
        %all_reduce_population_count3A_511 = tpu.all_reduce %ge3A_502 {dim = 0 : i64, kind = #tpu.reduction_kind<sum>} : vector<16xi1> -> vector<16xi32>
        %slice3A_512 = vector.extract_strided_slice %all_reduce_population_count3A_511 {offsets = [0], sizes = [1], strides = [1]} : vector<16xi32> to vector<1xi32>
        %squeeze3A_513 = vector.extract %slice3A_512[0] : i32 from vector<1xi32>
        %add3A_514 = arith.addi %add3A_498, %squeeze3A_513 : i32
        scf.yield %add3A_514 : i32
      }
      %scan3A_45 = arith.constant 31 : i32
      %add3A_46 = arith.constant -3.000000e+38 : f32
      %add3A_47 = vector.broadcast %add3A_46 : f32 to vector<16xf32>
      %add3A_48 = arith.addf %broadcast_in_dim3A_2, %add3A_47 : vector<16xf32>
      %swap3A_49 = arith.index_cast %scan3A_44 : i32 to index
      %swap3A_50 = tpu.vector_load %arg19[%swap3A_49] {strides = array<i32>} : memref<3984xf32, #tpu.memory_space<vmem>>, vector<16xf32>,
      tpu.vector_store %arg19[%swap3A_49], %add3A_48 {strides = array<i32>} : memref<3984xf32, #tpu.memory_space<vmem>>, vector<16xf32>,
      %swap3A_51 = arith.index_cast %scan3A_44 : i32 to index
      %swap3A_52 = tpu.vector_load %arg20[%swap3A_51] {strides = array<i32>} : memref<3984xi32, #tpu.memory_space<vmem>>, vector<16xi32>,
      tpu.vector_store %arg20[%swap3A_51], %broadcast_in_dim3A_0 {strides = array<i32>} : memref<3984xi32, #tpu.memory_space<vmem>>, vector<16xi32>,
      %add3A_53 = arith.constant 15 : i32
      %add3A_54 = arith.addi %scan3A_44, %add3A_53 : i32
      %jit3A = arith.constant 16 : i32
      %div3A = arith.divsi %add3A_54, %jit3A : i32
      %sign3A = arith.constant 0 : i32
      %sign3A_55 = arith.cmpi sgt, %add3A_54, %sign3A : i32
      %sign3A_56 = arith.extui %sign3A_55 : i1 to i32
      %sign3A_57 = arith.constant 0 : i32
      %sign3A_58 = arith.cmpi slt, %add3A_54, %sign3A_57 : i32
      %sign3A_59 = arith.extui %sign3A_58 : i1 to i32
      %sign3A_60 = arith.subi %sign3A_56, %sign3A_59 : i32
      %sign3A_61 = arith.constant 0 : i32
      %sign3A_62 = arith.cmpi sgt, %jit3A, %sign3A_61 : i32
      %sign3A_63 = arith.extui %sign3A_62 : i1 to i32
      %sign3A_64 = arith.constant 0 : i32
      %sign3A_65 = arith.cmpi slt, %jit3A, %sign3A_64 : i32
      %sign3A_66 = arith.extui %sign3A_65 : i1 to i32
      %sign3A_67 = arith.subi %sign3A_63, %sign3A_66 : i32
      %ne3A = arith.cmpi ne, %sign3A_60, %sign3A_67 : i32
      %rem3A = arith.remsi %add3A_54, %jit3A : i32
      %ne3A_68 = arith.constant 0 : i32
      %ne3A_69 = arith.cmpi ne, %rem3A, %ne3A_68 : i32
      %and3A = arith.andi %ne3A, %ne3A_69 : i1
      %sub3A = arith.constant 1 : i32
      %sub3A_70 = arith.subi %div3A, %sub3A : i32
      %select_n3A = arith.select %and3A, %sub3A_70, %div3A : i32
      %swap3A_71 = arith.constant 0 : index
      %swap3A_72 = tpu.vector_load %arg21[%swap3A_71] {strides = array<i32>} : memref<32xi32, #tpu.memory_space<vmem>>, vector<16xi32>,
      tpu.vector_store %arg21[%swap3A_71], %broadcast_in_dim3A_0 {strides = array<i32>} : memref<32xi32, #tpu.memory_space<vmem>>, vector<16xi32>,
      %swap3A_73 = arith.constant 16 : index
      %swap3A_74 = tpu.vector_load %arg21[%swap3A_73] {strides = array<i32>} : memref<32xi32, #tpu.memory_space<vmem>>, vector<16xi32>,
      tpu.vector_store %arg21[%swap3A_73], %broadcast_in_dim3A_0 {strides = array<i32>} : memref<32xi32, #tpu.memory_space<vmem>>, vector<16xi32>,
      %scan3A_75 = arith.constant 0 : i32
      %scan3A_76 = arith.constant 0 : i32
      %scan3A_77 = arith.constant 31 : i32
      %scan3A_78 = arith.addi %scan3A_76, %scan3A_77 : i32
      %scan3A_79 = arith.constant 1 : i32
      %scan3A_80 = scf.for %scan3A_385 = %scan3A_76 to %scan3A_78 step %scan3A_79 iter_args(%scan3A_386 = %scan3A_75) -> (i32)  : i32 {
        %broadcast_in_dim3A_387 = arith.constant -3.000000e+38 : f32
        %broadcast_in_dim3A_388 = vector.broadcast %broadcast_in_dim3A_387 : f32 to vector<16xf32>
        %while3A = arith.constant 0 : i32
        %while3A_389 = arith.subi %select_n3A, %while3A : i32
        %while3A_390 = arith.addi %while3A, %while3A_389 : i32
        %while3A_391 = arith.constant 1 : i32
        %while3A_392 = arith.divsi %while3A_389, %while3A_391 : i32
        %while3A_393 = arith.muli %while3A_392, %while3A_391 : i32
        %while3A_394 = arith.addi %while3A, %while3A_393 : i32
        %while3A_395 = arith.constant 1 : i32
        %while3A_396 = scf.for %while3A_455 = %while3A to %while3A_394 step %while3A_395 iter_args(%while3A_456 = %broadcast_in_dim3A_388) -> (vector<16xf32>)  : i32 {
          %mul3A_457 = arith.constant 16 : i32
          %mul3A_458 = arith.muli %mul3A_457, %while3A_455 : i32
          %get3A_459 = arith.index_cast %mul3A_458 : i32 to index
          %get3A_460 = tpu.vector_load %arg19[%get3A_459] {strides = array<i32>} : memref<3984xf32, #tpu.memory_space<vmem>>, vector<16xf32>,
          %max3A_461 = arith.maximumf %while3A_456, %get3A_460 : vector<16xf32>
          scf.yield %max3A_461 : vector<16xf32>
        }
        %while3A_397 = arith.constant 1 : i32
        %while3A_398 = scf.for %while3A_455 = %while3A_394 to %while3A_390 step %while3A_397 iter_args(%while3A_456 = %while3A_396) -> (vector<16xf32>)  : i32 {
          %mul3A_457 = arith.constant 16 : i32
          %mul3A_458 = arith.muli %mul3A_457, %while3A_455 : i32
          %get3A_459 = arith.index_cast %mul3A_458 : i32 to index
          %get3A_460 = tpu.vector_load %arg19[%get3A_459] {strides = array<i32>} : memref<3984xf32, #tpu.memory_space<vmem>>, vector<16xf32>,
          %max3A_461 = arith.maximumf %while3A_456, %get3A_460 : vector<16xf32>
          scf.yield %max3A_461 : vector<16xf32>
        }
        %reduce_max3A = arith.constant true
        %reduce_max3A_399 = vector.broadcast %reduce_max3A : i1 to vector<16xi1>
        %reduce_max3A_400 = tpu.scan <max>, %while3A_398 masked %reduce_max3A_399 : vector<16xf32>, vector<16xi1> -> vector<16xf32>
        %reduce_max3A_401 = vector.extract %reduce_max3A_400[15] : f32 from vector<16xf32>
        %broadcast_in_dim3A_402 = arith.constant -1 : i32
        %broadcast_in_dim3A_403 = vector.broadcast %broadcast_in_dim3A_402 : i32 to vector<16xi32>
        %broadcast_in_dim3A_404 = arith.constant -1 : i32
        %broadcast_in_dim3A_405 = vector.broadcast %broadcast_in_dim3A_404 : i32 to vector<16xi32>
        %while3A_406 = arith.constant 0 : i32
        %while3A_407 = arith.subi %select_n3A, %while3A_406 : i32
        %while3A_408 = arith.addi %while3A_406, %while3A_407 : i32
        %while3A_409 = arith.constant 1 : i32
        %while3A_410 = arith.divsi %while3A_407, %while3A_409 : i32
        %while3A_411 = arith.muli %while3A_410, %while3A_409 : i32
        %while3A_412 = arith.addi %while3A_406, %while3A_411 : i32
        %while3A_413 = arith.constant 1 : i32
        %while3A_414:2 = scf.for %while3A_455 = %while3A_406 to %while3A_412 step %while3A_413 iter_args(%while3A_456 = %broadcast_in_dim3A_403, %while3A_457 = %broadcast_in_dim3A_405) -> (vector<16xi32>, vector<16xi32>)  : i32 {
          %mul3A_458 = arith.constant 16 : i32
          %mul3A_459 = arith.muli %mul3A_458, %while3A_455 : i32
          %get3A_460 = arith.index_cast %mul3A_459 : i32 to index
          %get3A_461 = tpu.vector_load %arg19[%get3A_460] {strides = array<i32>} : memref<3984xf32, #tpu.memory_space<vmem>>, vector<16xf32>,
          %eq3A_462 = vector.broadcast %reduce_max3A_401 : f32 to vector<16xf32>
          %eq3A_463 = arith.cmpf oeq, %get3A_461, %eq3A_462 : vector<16xf32>
          %mul3A_464 = arith.constant 16 : i32
          %mul3A_465 = arith.muli %mul3A_464, %while3A_455 : i32
          %add3A_466 = vector.broadcast %mul3A_465 : i32 to vector<16xi32>
          %add3A_467 = arith.addi %iota3A, %add3A_466 : vector<16xi32>
          %jit3A_468 = arith.constant -1 : i32
          %broadcast_in_dim3A_469 = vector.broadcast %jit3A_468 : i32 to vector<16xi32>
          %select_n3A_470 = arith.select %eq3A_463, %add3A_467, %broadcast_in_dim3A_469 : vector<16xi1>, vector<16xi32>
          %max3A_471 = arith.maxsi %while3A_456, %select_n3A_470 : vector<16xi32>
          %mul3A_472 = arith.constant 16 : i32
          %mul3A_473 = arith.muli %mul3A_472, %while3A_455 : i32
          %get3A_474 = arith.index_cast %mul3A_473 : i32 to index
          %get3A_475 = tpu.vector_load %arg20[%get3A_474] {strides = array<i32>} : memref<3984xi32, #tpu.memory_space<vmem>>, vector<16xi32>,
          %jit3A_476 = arith.constant -1 : i32
          %broadcast_in_dim3A_477 = vector.broadcast %jit3A_476 : i32 to vector<16xi32>
          %select_n3A_478 = arith.select %eq3A_463, %get3A_475, %broadcast_in_dim3A_477 : vector<16xi1>, vector<16xi32>
          %max3A_479 = arith.maxsi %while3A_457, %select_n3A_478 : vector<16xi32>
          scf.yield %max3A_471, %max3A_479 : vector<16xi32>, vector<16xi32>
        }
        %while3A_415 = arith.constant 1 : i32
        %while3A_416:2 = scf.for %while3A_455 = %while3A_412 to %while3A_408 step %while3A_415 iter_args(%while3A_456 = %while3A_414#0, %while3A_457 = %while3A_414#1) -> (vector<16xi32>, vector<16xi32>)  : i32 {
          %mul3A_458 = arith.constant 16 : i32
          %mul3A_459 = arith.muli %mul3A_458, %while3A_455 : i32
          %get3A_460 = arith.index_cast %mul3A_459 : i32 to index
          %get3A_461 = tpu.vector_load %arg19[%get3A_460] {strides = array<i32>} : memref<3984xf32, #tpu.memory_space<vmem>>, vector<16xf32>,
          %eq3A_462 = vector.broadcast %reduce_max3A_401 : f32 to vector<16xf32>
          %eq3A_463 = arith.cmpf oeq, %get3A_461, %eq3A_462 : vector<16xf32>
          %mul3A_464 = arith.constant 16 : i32
          %mul3A_465 = arith.muli %mul3A_464, %while3A_455 : i32
          %add3A_466 = vector.broadcast %mul3A_465 : i32 to vector<16xi32>
          %add3A_467 = arith.addi %iota3A, %add3A_466 : vector<16xi32>
          %jit3A_468 = arith.constant -1 : i32
          %broadcast_in_dim3A_469 = vector.broadcast %jit3A_468 : i32 to vector<16xi32>
          %select_n3A_470 = arith.select %eq3A_463, %add3A_467, %broadcast_in_dim3A_469 : vector<16xi1>, vector<16xi32>
          %max3A_471 = arith.maxsi %while3A_456, %select_n3A_470 : vector<16xi32>
          %mul3A_472 = arith.constant 16 : i32
          %mul3A_473 = arith.muli %mul3A_472, %while3A_455 : i32
          %get3A_474 = arith.index_cast %mul3A_473 : i32 to index
          %get3A_475 = tpu.vector_load %arg20[%get3A_474] {strides = array<i32>} : memref<3984xi32, #tpu.memory_space<vmem>>, vector<16xi32>,
          %jit3A_476 = arith.constant -1 : i32
          %broadcast_in_dim3A_477 = vector.broadcast %jit3A_476 : i32 to vector<16xi32>
          %select_n3A_478 = arith.select %eq3A_463, %get3A_475, %broadcast_in_dim3A_477 : vector<16xi1>, vector<16xi32>
          %max3A_479 = arith.maxsi %while3A_457, %select_n3A_478 : vector<16xi32>
          scf.yield %max3A_471, %max3A_479 : vector<16xi32>, vector<16xi32>
        }
        %reduce_max3A_417 = arith.constant true
        %reduce_max3A_418 = vector.broadcast %reduce_max3A_417 : i1 to vector<16xi1>
        %reduce_max3A_419 = arith.constant -2147483648 : i32
        %reduce_max3A_420 = vector.broadcast %reduce_max3A_419 : i32 to vector<16xi32>
        %reduce_max3A_421 = arith.xori %while3A_416#0, %reduce_max3A_420 : vector<16xi32>
        %reduce_max3A_422 = tpu.scan <max>, %reduce_max3A_421 masked %reduce_max3A_418 : vector<16xi32>, vector<16xi1> -> vector<16xi32>
        %reduce_max3A_423 = arith.xori %reduce_max3A_422, %reduce_max3A_420 : vector<16xi32>
        %reduce_max3A_424 = vector.extract %reduce_max3A_423[15] : i32 from vector<16xi32>
        %reduce_max3A_425 = arith.constant true
        %reduce_max3A_426 = vector.broadcast %reduce_max3A_425 : i1 to vector<16xi1>
        %reduce_max3A_427 = arith.constant -2147483648 : i32
        %reduce_max3A_428 = vector.broadcast %reduce_max3A_427 : i32 to vector<16xi32>
        %reduce_max3A_429 = arith.xori %while3A_416#1, %reduce_max3A_428 : vector<16xi32>
        %reduce_max3A_430 = tpu.scan <max>, %reduce_max3A_429 masked %reduce_max3A_426 : vector<16xi32>, vector<16xi1> -> vector<16xi32>
        %reduce_max3A_431 = arith.xori %reduce_max3A_430, %reduce_max3A_428 : vector<16xi32>
        %reduce_max3A_432 = vector.extract %reduce_max3A_431[15] : i32 from vector<16xi32>
        %add3A_433 = vector.broadcast %reduce_max3A_424 : i32 to vector<16xi32>
        %add3A_434 = arith.addi %broadcast_in_dim3A_0, %add3A_433 : vector<16xi32>
        %add3A_435 = arith.constant -3.000000e+38 : f32
        %add3A_436 = vector.broadcast %add3A_435 : f32 to vector<16xf32>
        %add3A_437 = arith.addf %broadcast_in_dim3A_2, %add3A_436 : vector<16xf32>
        %eq3A = arith.constant 0 : i32
        %eq3A_438 = vector.broadcast %eq3A : i32 to vector<16xi32>
        %eq3A_439 = arith.cmpi eq, %iota3A, %eq3A_438 : vector<16xi32>
        tpu.vector_store_idx %arg19[%add3A_434], %add3A_437 masked %eq3A_439 : memref<3984xf32, #tpu.memory_space<vmem>>[vector<16xi32>], vector<16xf32>, vector<16xi1>
        %add3A_440 = vector.broadcast %scan3A_385 : i32 to vector<16xi32>
        %add3A_441 = arith.addi %broadcast_in_dim3A_0, %add3A_440 : vector<16xi32>
        %add3A_442 = vector.broadcast %reduce_max3A_432 : i32 to vector<16xi32>
        %add3A_443 = arith.addi %broadcast_in_dim3A_0, %add3A_442 : vector<16xi32>
        %eq3A_444 = arith.constant 0 : i32
        %eq3A_445 = vector.broadcast %eq3A_444 : i32 to vector<16xi32>
        %eq3A_446 = arith.cmpi eq, %iota3A, %eq3A_445 : vector<16xi32>
        tpu.vector_store_idx %arg21[%add3A_441], %add3A_443 masked %eq3A_446 : memref<32xi32, #tpu.memory_space<vmem>>[vector<16xi32>], vector<16xi32>, vector<16xi1>
        %add3A_447 = vector.broadcast %scan3A_385 : i32 to vector<16xi32>
        %add3A_448 = arith.addi %broadcast_in_dim3A_0, %add3A_447 : vector<16xi32>
        %add3A_449 = vector.broadcast %reduce_max3A_401 : f32 to vector<16xf32>
        %add3A_450 = arith.addf %broadcast_in_dim3A_2, %add3A_449 : vector<16xf32>
        %eq3A_451 = arith.constant 0 : i32
        %eq3A_452 = vector.broadcast %eq3A_451 : i32 to vector<16xi32>
        %eq3A_453 = arith.cmpi eq, %iota3A, %eq3A_452 : vector<16xi32>
        tpu.vector_store_idx %arg22[%add3A_448], %add3A_450 masked %eq3A_453 : memref<32xf32, #tpu.memory_space<vmem>>[vector<16xi32>], vector<16xf32>, vector<16xi1>
        %scan3A_454 = arith.constant 0 : i32
        scf.yield %scan3A_454 : i32
      }
      %scan3A_81 = arith.constant 31 : i32
      %get3A = arith.constant 0 : index
      %get3A_82 = tpu.vector_load %arg21[%get3A] {strides = array<i32>} : memref<32xi32, #tpu.memory_space<vmem>>, vector<16xi32>,
      %get3A_83 = arith.constant 16 : index
      %get3A_84 = tpu.vector_load %arg21[%get3A_83] {strides = array<i32>} : memref<32xi32, #tpu.memory_space<vmem>>, vector<16xi32>,
      %mul3A_85 = arith.constant 32768 : i32
      %mul3A_86 = arith.muli %add3A_17, %mul3A_85 : i32
      %add3A_87 = vector.broadcast %mul3A_86 : i32 to vector<16xi32>
      %add3A_88 = arith.addi %get3A_82, %add3A_87 : vector<16xi32>
      %swap3A_89 = arith.constant 0 : index
      %swap3A_90 = tpu.vector_load %arg23[%swap3A_89] {strides = array<i32>} : memref<32xi32, #tpu.memory_space<vmem>>, vector<16xi32>,
      tpu.vector_store %arg23[%swap3A_89], %add3A_88 {strides = array<i32>} : memref<32xi32, #tpu.memory_space<vmem>>, vector<16xi32>,
      %mul3A_91 = arith.constant 32768 : i32
      %mul3A_92 = arith.muli %add3A_17, %mul3A_91 : i32
      %add3A_93 = vector.broadcast %mul3A_92 : i32 to vector<16xi32>
      %add3A_94 = arith.addi %get3A_84, %add3A_93 : vector<16xi32>
      %swap3A_95 = arith.constant 16 : index
      %swap3A_96 = tpu.vector_load %arg23[%swap3A_95] {strides = array<i32>} : memref<32xi32, #tpu.memory_space<vmem>>, vector<16xi32>,
      tpu.vector_store %arg23[%swap3A_95], %add3A_94 {strides = array<i32>} : memref<32xi32, #tpu.memory_space<vmem>>, vector<16xi32>,
      %jit3A_97 = arith.constant 2 : i32
      %div3A_98 = vector.broadcast %jit3A_97 : i32 to vector<16xi32>
      %div3A_99 = arith.divsi %get3A_82, %div3A_98 : vector<16xi32>
      %sign3A_100 = arith.constant 0 : i32
      %sign3A_101 = vector.broadcast %sign3A_100 : i32 to vector<16xi32>
      %sign3A_102 = arith.cmpi sgt, %get3A_82, %sign3A_101 : vector<16xi32>
      %sign3A_103 = arith.extui %sign3A_102 : vector<16xi1> to vector<16xi32>
      %sign3A_104 = arith.constant 0 : i32
      %sign3A_105 = vector.broadcast %sign3A_104 : i32 to vector<16xi32>
      %sign3A_106 = arith.cmpi slt, %get3A_82, %sign3A_105 : vector<16xi32>
      %sign3A_107 = arith.extui %sign3A_106 : vector<16xi1> to vector<16xi32>
      %sign3A_108 = arith.subi %sign3A_103, %sign3A_107 : vector<16xi32>
      %sign3A_109 = arith.constant 0 : i32
      %sign3A_110 = arith.cmpi sgt, %jit3A_97, %sign3A_109 : i32
      %sign3A_111 = arith.extui %sign3A_110 : i1 to i32
      %sign3A_112 = arith.constant 0 : i32
      %sign3A_113 = arith.cmpi slt, %jit3A_97, %sign3A_112 : i32
      %sign3A_114 = arith.extui %sign3A_113 : i1 to i32
      %sign3A_115 = arith.subi %sign3A_111, %sign3A_114 : i32
      %ne3A_116 = vector.broadcast %sign3A_115 : i32 to vector<16xi32>
      %ne3A_117 = arith.cmpi ne, %sign3A_108, %ne3A_116 : vector<16xi32>
      %rem3A_118 = vector.broadcast %jit3A_97 : i32 to vector<16xi32>
      %rem3A_119 = arith.remsi %get3A_82, %rem3A_118 : vector<16xi32>
      %ne3A_120 = arith.constant 0 : i32
      %ne3A_121 = vector.broadcast %ne3A_120 : i32 to vector<16xi32>
      %ne3A_122 = arith.cmpi ne, %rem3A_119, %ne3A_121 : vector<16xi32>
      %and3A_123 = arith.andi %ne3A_117, %ne3A_122 : vector<16xi1>
      %sub3A_124 = arith.constant 1 : i32
      %sub3A_125 = vector.broadcast %sub3A_124 : i32 to vector<16xi32>
      %sub3A_126 = arith.subi %div3A_99, %sub3A_125 : vector<16xi32>
      %select_n3A_127 = arith.select %and3A_123, %sub3A_126, %div3A_99 : vector<16xi1>, vector<16xi32>
      %swap3A_128 = arith.constant 0 : index
      %swap3A_129 = tpu.vector_load %arg24[%swap3A_128] {strides = array<i32>} : memref<32xi32, #tpu.memory_space<vmem>>, vector<16xi32>,
      tpu.vector_store %arg24[%swap3A_128], %select_n3A_127 {strides = array<i32>} : memref<32xi32, #tpu.memory_space<vmem>>, vector<16xi32>,
      %jit3A_130 = arith.constant 2 : i32
      %div3A_131 = vector.broadcast %jit3A_130 : i32 to vector<16xi32>
      %div3A_132 = arith.divsi %get3A_84, %div3A_131 : vector<16xi32>
      %sign3A_133 = arith.constant 0 : i32
      %sign3A_134 = vector.broadcast %sign3A_133 : i32 to vector<16xi32>
      %sign3A_135 = arith.cmpi sgt, %get3A_84, %sign3A_134 : vector<16xi32>
      %sign3A_136 = arith.extui %sign3A_135 : vector<16xi1> to vector<16xi32>
      %sign3A_137 = arith.constant 0 : i32
      %sign3A_138 = vector.broadcast %sign3A_137 : i32 to vector<16xi32>
      %sign3A_139 = arith.cmpi slt, %get3A_84, %sign3A_138 : vector<16xi32>
      %sign3A_140 = arith.extui %sign3A_139 : vector<16xi1> to vector<16xi32>
      %sign3A_141 = arith.subi %sign3A_136, %sign3A_140 : vector<16xi32>
      %sign3A_142 = arith.constant 0 : i32
      %sign3A_143 = arith.cmpi sgt, %jit3A_130, %sign3A_142 : i32
      %sign3A_144 = arith.extui %sign3A_143 : i1 to i32
      %sign3A_145 = arith.constant 0 : i32
      %sign3A_146 = arith.cmpi slt, %jit3A_130, %sign3A_145 : i32
      %sign3A_147 = arith.extui %sign3A_146 : i1 to i32
      %sign3A_148 = arith.subi %sign3A_144, %sign3A_147 : i32
      %ne3A_149 = vector.broadcast %sign3A_148 : i32 to vector<16xi32>
      %ne3A_150 = arith.cmpi ne, %sign3A_141, %ne3A_149 : vector<16xi32>
      %rem3A_151 = vector.broadcast %jit3A_130 : i32 to vector<16xi32>
      %rem3A_152 = arith.remsi %get3A_84, %rem3A_151 : vector<16xi32>
      %ne3A_153 = arith.constant 0 : i32
      %ne3A_154 = vector.broadcast %ne3A_153 : i32 to vector<16xi32>
      %ne3A_155 = arith.cmpi ne, %rem3A_152, %ne3A_154 : vector<16xi32>
      %and3A_156 = arith.andi %ne3A_150, %ne3A_155 : vector<16xi1>
      %sub3A_157 = arith.constant 1 : i32
      %sub3A_158 = vector.broadcast %sub3A_157 : i32 to vector<16xi32>
      %sub3A_159 = arith.subi %div3A_132, %sub3A_158 : vector<16xi32>
      %select_n3A_160 = arith.select %and3A_156, %sub3A_159, %div3A_132 : vector<16xi1>, vector<16xi32>
      %swap3A_161 = arith.constant 16 : index
      %swap3A_162 = tpu.vector_load %arg24[%swap3A_161] {strides = array<i32>} : memref<32xi32, #tpu.memory_space<vmem>>, vector<16xi32>,
      tpu.vector_store %arg24[%swap3A_161], %select_n3A_160 {strides = array<i32>} : memref<32xi32, #tpu.memory_space<vmem>>, vector<16xi32>,
      %dma_start3A_163 = arith.constant 0 : i32
      %dma_start3A_164 = tpu.memref_slice %arg12[%dma_start3A_163] : memref<4194304xf32, #tpu.memory_space<hbm>> -> memref<4194304xf32, #tpu.memory_space<hbm>>
      tpu.enqueue_indirect_dma source(%dma_start3A_164 : memref<4194304xf32, #tpu.memory_space<hbm>>) target(%arg25 : memref<32xf32, #tpu.memory_space<vmem>>) offsets(%arg23 : memref<32xi32, #tpu.memory_space<vmem>>) semaphore(%arg34 : memref<!tpu.dma_semaphore, #tpu.memory_space<semaphore_mem>>)
      %dma_start3A_165 = arith.constant 0 : i32
      %dma_start3A_166 = tpu.memref_slice %arg10[%dma_start3A_165] : memref<32768xf32, #tpu.memory_space<hbm>> -> memref<32768xf32, #tpu.memory_space<hbm>>
      tpu.enqueue_indirect_dma source(%dma_start3A_166 : memref<32768xf32, #tpu.memory_space<hbm>>) target(%arg26 : memref<32xf32, #tpu.memory_space<vmem>>) offsets(%arg21 : memref<32xi32, #tpu.memory_space<vmem>>) semaphore(%arg34 : memref<!tpu.dma_semaphore, #tpu.memory_space<semaphore_mem>>)
      %dma_start3A_167 = arith.constant 0 : i32
      %dma_start3A_168 = arith.constant 0 : i32
      %dma_start3A_169 = tpu.memref_slice %arg11[%dma_start3A_167, %dma_start3A_168] : memref<16384x128xf32, #tpu.memory_space<hbm>> -> memref<16384x128xf32, #tpu.memory_space<hbm>>
      tpu.enqueue_indirect_dma source(%dma_start3A_169 : memref<16384x128xf32, #tpu.memory_space<hbm>>) target(%arg27 : memref<32x128xf32, #tpu.memory_space<vmem>>) offsets(%arg24 : memref<32xi32, #tpu.memory_space<vmem>>) semaphore(%arg34 : memref<!tpu.dma_semaphore, #tpu.memory_space<semaphore_mem>>)
      %dma_wait3A_170 = arith.constant 0 : i32
      %dma_wait3A_171 = tpu.memref_slice %arg2[%add3A_17, %dma_wait3A_170] : memref<128x32768xf32, #tpu.memory_space<hbm>> -> memref<1x32768xf32, #tpu.memory_space<hbm>>
      %dma_wait3A_172 = tpu.memref_squeeze %dma_wait3A_171 : memref<1x32768xf32, #tpu.memory_space<hbm>> -> memref<32768xf32, #tpu.memory_space<hbm>>
      %dma_wait3A_173 = arith.constant 0 : i32
      %dma_wait3A_174 = tpu.memref_slice %arg2[%add3A_17, %dma_wait3A_173] : memref<128x32768xf32, #tpu.memory_space<hbm>> -> memref<1x32768xf32, #tpu.memory_space<hbm>>
      %dma_wait3A_175 = tpu.memref_squeeze %dma_wait3A_174 : memref<1x32768xf32, #tpu.memory_space<hbm>> -> memref<32768xf32, #tpu.memory_space<hbm>>
      tpu.wait_dma2 semaphore(%arg35 : memref<!tpu.dma_semaphore, #tpu.memory_space<semaphore_mem>>) src(%dma_wait3A_175 : memref<32768xf32, #tpu.memory_space<hbm>>) dst(%arg14 : memref<32768xf32, #tpu.memory_space<vmem>>)
      %gather3A = tpu.vector_load_idx %arg14[%get3A_82] : memref<32768xf32, #tpu.memory_space<vmem>>[vector<16xi32>], vector<16xf32>,
      %gather3A_176 = tpu.vector_load_idx %arg14[%get3A_84] : memref<32768xf32, #tpu.memory_space<vmem>>[vector<16xi32>], vector<16xf32>,
      %dma_wait3A_177 = arith.constant 0 : i32
      %dma_wait3A_178 = tpu.memref_slice %arg12[%dma_wait3A_177] : memref<4194304xf32, #tpu.memory_space<hbm>> -> memref<4194304xf32, #tpu.memory_space<hbm>>
      tpu.wait_indirect_dma semaphore(%arg34 : memref<!tpu.dma_semaphore, #tpu.memory_space<semaphore_mem>>) src(%dma_wait3A_178 : memref<4194304xf32, #tpu.memory_space<hbm>>) dst(%arg25 : memref<32xf32, #tpu.memory_space<vmem>>)
      %dma_wait3A_179 = arith.constant 0 : i32
      %dma_wait3A_180 = tpu.memref_slice %arg10[%dma_wait3A_179] : memref<32768xf32, #tpu.memory_space<hbm>> -> memref<32768xf32, #tpu.memory_space<hbm>>
      tpu.wait_indirect_dma semaphore(%arg34 : memref<!tpu.dma_semaphore, #tpu.memory_space<semaphore_mem>>) src(%dma_wait3A_180 : memref<32768xf32, #tpu.memory_space<hbm>>) dst(%arg26 : memref<32xf32, #tpu.memory_space<vmem>>)
      %dma_wait3A_181 = arith.constant 0 : i32
      %dma_wait3A_182 = arith.constant 0 : i32
      %dma_wait3A_183 = tpu.memref_slice %arg11[%dma_wait3A_181, %dma_wait3A_182] : memref<16384x128xf32, #tpu.memory_space<hbm>> -> memref<16384x128xf32, #tpu.memory_space<hbm>>
      tpu.wait_indirect_dma semaphore(%arg34 : memref<!tpu.dma_semaphore, #tpu.memory_space<semaphore_mem>>) src(%dma_wait3A_183 : memref<16384x128xf32, #tpu.memory_space<hbm>>) dst(%arg27 : memref<32x128xf32, #tpu.memory_space<vmem>>)
      %add3A_184 = vector.broadcast %add3A_17 : i32 to vector<16xi32>
      %add3A_185 = arith.addi %broadcast_in_dim3A_0, %add3A_184 : vector<16xi32>
      %gather3A_186 = tpu.vector_load_idx %arg30[%add3A_185] : memref<128xi32, #tpu.memory_space<vmem>>[vector<16xi32>], vector<16xi32>,
      %add3A_187 = vector.broadcast %add3A_17 : i32 to vector<16xi32>
      %add3A_188 = arith.addi %broadcast_in_dim3A_0, %add3A_187 : vector<16xi32>
      %gather3A_189 = tpu.vector_load_idx %arg31[%add3A_188] : memref<128xf32, #tpu.memory_space<vmem>>[vector<16xi32>], vector<16xf32>,
      %add3A_190 = vector.broadcast %add3A_17 : i32 to vector<16xi32>
      %add3A_191 = arith.addi %broadcast_in_dim3A_0, %add3A_190 : vector<16xi32>
      %gather3A_192 = tpu.vector_load_idx %arg32[%add3A_191] : memref<128xf32, #tpu.memory_space<vmem>>[vector<16xi32>], vector<16xf32>,
      %add3A_193 = vector.broadcast %add3A_17 : i32 to vector<16xi32>
      %add3A_194 = arith.addi %broadcast_in_dim3A_0, %add3A_193 : vector<16xi32>
      %gather3A_195 = tpu.vector_load_idx %arg33[%add3A_194] : memref<128xf32, #tpu.memory_space<vmem>>[vector<16xi32>], vector<16xf32>,
      %get3A_196 = arith.constant 0 : index
      %get3A_197 = tpu.vector_load %arg22[%get3A_196] {strides = array<i32>} : memref<32xf32, #tpu.memory_space<vmem>>, vector<16xf32>,
      %get3A_198 = arith.constant 16 : index
      %get3A_199 = tpu.vector_load %arg22[%get3A_198] {strides = array<i32>} : memref<32xf32, #tpu.memory_space<vmem>>, vector<16xf32>,
      %get3A_200 = arith.constant 0 : index
      %get3A_201 = tpu.vector_load %arg25[%get3A_200] {strides = array<i32>} : memref<32xf32, #tpu.memory_space<vmem>>, vector<16xf32>,
      %sub3A_202 = arith.subf %get3A_197, %get3A_201 : vector<16xf32>
      %get3A_203 = arith.constant 16 : index
      %get3A_204 = tpu.vector_load %arg25[%get3A_203] {strides = array<i32>} : memref<32xf32, #tpu.memory_space<vmem>>, vector<16xf32>,
      %sub3A_205 = arith.subf %get3A_199, %get3A_204 : vector<16xf32>
      %mul3A_206 = arith.constant 2.000000e+00 : f32
      %mul3A_207 = vector.broadcast %mul3A_206 : f32 to vector<16xf32>
      %mul3A_208 = arith.mulf %mul3A_207, %gather3A : vector<16xf32>
      %sub3A_209 = arith.constant 1.000000e+00 : f32
      %sub3A_210 = vector.broadcast %sub3A_209 : f32 to vector<16xf32>
      %sub3A_211 = arith.subf %sub3A_210, %mul3A_208 : vector<16xf32>
      %mul3A_212 = arith.constant 2.000000e+00 : f32
      %mul3A_213 = vector.broadcast %mul3A_212 : f32 to vector<16xf32>
      %mul3A_214 = arith.mulf %mul3A_213, %gather3A_176 : vector<16xf32>
      %sub3A_215 = arith.constant 1.000000e+00 : f32
      %sub3A_216 = vector.broadcast %sub3A_215 : f32 to vector<16xf32>
      %sub3A_217 = arith.subf %sub3A_216, %mul3A_214 : vector<16xf32>
      %lt3A = arith.cmpi slt, %iota3A, %gather3A_186 : vector<16xi32>
      %jit3A_218 = arith.constant 1.000000e+00 : f32
      %jit3A_219 = arith.constant 0.000000e+00 : f32
      %broadcast_in_dim3A_220 = vector.broadcast %jit3A_218 : f32 to vector<16xf32>
      %broadcast_in_dim3A_221 = vector.broadcast %jit3A_219 : f32 to vector<16xf32>
      %select_n3A_222 = arith.select %lt3A, %broadcast_in_dim3A_220, %broadcast_in_dim3A_221 : vector<16xi1>, vector<16xf32>
      %add3A_223 = arith.constant 16 : i32
      %add3A_224 = vector.broadcast %add3A_223 : i32 to vector<16xi32>
      %add3A_225 = arith.addi %iota3A, %add3A_224 : vector<16xi32>
      %lt3A_226 = arith.cmpi slt, %add3A_225, %gather3A_186 : vector<16xi32>
      %jit3A_227 = arith.constant 1.000000e+00 : f32
      %jit3A_228 = arith.constant 0.000000e+00 : f32
      %broadcast_in_dim3A_229 = vector.broadcast %jit3A_227 : f32 to vector<16xf32>
      %broadcast_in_dim3A_230 = vector.broadcast %jit3A_228 : f32 to vector<16xf32>
      %select_n3A_231 = arith.select %lt3A_226, %broadcast_in_dim3A_229, %broadcast_in_dim3A_230 : vector<16xi1>, vector<16xf32>
      %mul3A_232 = arith.mulf %select_n3A_222, %sub3A_211 : vector<16xf32>
      %mul3A_233 = arith.mulf %select_n3A_231, %sub3A_217 : vector<16xf32>
      %swap3A_234 = arith.constant 0 : index
      %swap3A_235 = tpu.vector_load %arg29[%swap3A_234] {strides = array<i32>} : memref<32xf32, #tpu.memory_space<vmem>>, vector<16xf32>,
      tpu.vector_store %arg29[%swap3A_234], %mul3A_232 {strides = array<i32>} : memref<32xf32, #tpu.memory_space<vmem>>, vector<16xf32>,
      %swap3A_236 = arith.constant 16 : index
      %swap3A_237 = tpu.vector_load %arg29[%swap3A_236] {strides = array<i32>} : memref<32xf32, #tpu.memory_space<vmem>>, vector<16xf32>,
      tpu.vector_store %arg29[%swap3A_236], %mul3A_233 {strides = array<i32>} : memref<32xf32, #tpu.memory_space<vmem>>, vector<16xf32>,
      %scan3A_238 = arith.constant 0 : i32
      %scan3A_239 = arith.constant 31 : i32
      %scan3A_240 = arith.addi %scan3A_238, %scan3A_239 : i32
      %scan3A_241 = arith.constant 1 : i32
      %scan3A_242:4 = scf.for %scan3A_385 = %scan3A_238 to %scan3A_240 step %scan3A_241 iter_args(%scan3A_386 = %broadcast_in_dim3A_2, %scan3A_387 = %broadcast_in_dim3A_2, %scan3A_388 = %broadcast_in_dim3A_2, %scan3A_389 = %broadcast_in_dim3A_2) -> (vector<16xf32>, vector<16xf32>, vector<16xf32>, vector<16xf32>)  : i32 {
        %add3A_390 = vector.broadcast %scan3A_385 : i32 to vector<16xi32>
        %add3A_391 = arith.addi %broadcast_in_dim3A_0, %add3A_390 : vector<16xi32>
        %gather3A_392 = tpu.vector_load_idx %arg29[%add3A_391] : memref<32xf32, #tpu.memory_space<vmem>>[vector<16xi32>], vector<16xf32>,
        %add3A_393 = vector.broadcast %scan3A_385 : i32 to vector<16xi32>
        %add3A_394 = arith.addi %broadcast_in_dim3A_0, %add3A_393 : vector<16xi32>
        %gather3A_395 = tpu.vector_load_idx %arg21[%add3A_394] : memref<32xi32, #tpu.memory_space<vmem>>[vector<16xi32>], vector<16xi32>,
        %slice3A = vector.extract_strided_slice %gather3A_395 {offsets = [0], sizes = [1], strides = [1]} : vector<16xi32> to vector<1xi32>
        %squeeze3A = vector.extract %slice3A[0] : i32 from vector<1xi32>
        %jit3A_396 = arith.constant 2 : i32
        %eq3A = arith.constant 0 : i32
        %eq3A_397 = arith.cmpi eq, %jit3A_396, %eq3A : i32
        %jit3A_398 = arith.constant 1 : i32
        %select_n3A_399 = arith.select %eq3A_397, %jit3A_398, %jit3A_396 : i32
        %rem3A_400 = arith.remsi %squeeze3A, %select_n3A_399 : i32
        %ne3A_401 = arith.constant 0 : i32
        %ne3A_402 = arith.cmpi ne, %rem3A_400, %ne3A_401 : i32
        %lt3A_403 = arith.constant 0 : i32
        %lt3A_404 = arith.cmpi slt, %rem3A_400, %lt3A_403 : i32
        %lt3A_405 = arith.constant 0 : i32
        %lt3A_406 = arith.cmpi slt, %select_n3A_399, %lt3A_405 : i32
        %ne3A_407 = arith.xori %lt3A_404, %lt3A_406 : i1
        %and3A_408 = arith.andi %ne3A_407, %ne3A_402 : i1
        %add3A_409 = arith.addi %rem3A_400, %select_n3A_399 : i32
        %select_n3A_410 = arith.select %and3A_408, %add3A_409, %rem3A_400 : i32
        %mul3A_411 = arith.constant 64 : i32
        %mul3A_412 = arith.muli %select_n3A_410, %mul3A_411 : i32
        %add3A_413 = arith.constant 0 : i32
        %add3A_414 = arith.addi %mul3A_412, %add3A_413 : i32
        %get3A_415 = arith.index_cast %scan3A_385 : i32 to index
        %get3A_416 = arith.index_cast %add3A_414 : i32 to index
        %get3A_417 = tpu.vector_load %arg27[%get3A_415, %get3A_416] {strides = array<i32>} : memref<32x128xf32, #tpu.memory_space<vmem>>, vector<16xf32>,
        %mul3A_418 = arith.mulf %gather3A_392, %get3A_417 : vector<16xf32>
        %add3A_419 = arith.addf %scan3A_386, %mul3A_418 : vector<16xf32>
        %add3A_420 = arith.constant 16 : i32
        %add3A_421 = arith.addi %mul3A_412, %add3A_420 : i32
        %get3A_422 = arith.index_cast %scan3A_385 : i32 to index
        %get3A_423 = arith.index_cast %add3A_421 : i32 to index
        %get3A_424 = tpu.vector_load %arg27[%get3A_422, %get3A_423] {strides = array<i32>} : memref<32x128xf32, #tpu.memory_space<vmem>>, vector<16xf32>,
        %mul3A_425 = arith.mulf %gather3A_392, %get3A_424 : vector<16xf32>
        %add3A_426 = arith.addf %scan3A_387, %mul3A_425 : vector<16xf32>
        %add3A_427 = arith.constant 32 : i32
        %add3A_428 = arith.addi %mul3A_412, %add3A_427 : i32
        %get3A_429 = arith.index_cast %scan3A_385 : i32 to index
        %get3A_430 = arith.index_cast %add3A_428 : i32 to index
        %get3A_431 = tpu.vector_load %arg27[%get3A_429, %get3A_430] {strides = array<i32>} : memref<32x128xf32, #tpu.memory_space<vmem>>, vector<16xf32>,
        %mul3A_432 = arith.mulf %gather3A_392, %get3A_431 : vector<16xf32>
        %add3A_433 = arith.addf %scan3A_388, %mul3A_432 : vector<16xf32>
        %add3A_434 = arith.constant 48 : i32
        %add3A_435 = arith.addi %mul3A_412, %add3A_434 : i32
        %get3A_436 = arith.index_cast %scan3A_385 : i32 to index
        %get3A_437 = arith.index_cast %add3A_435 : i32 to index
        %get3A_438 = tpu.vector_load %arg27[%get3A_436, %get3A_437] {strides = array<i32>} : memref<32x128xf32, #tpu.memory_space<vmem>>, vector<16xf32>,
        %mul3A_439 = arith.mulf %gather3A_392, %get3A_438 : vector<16xf32>
        %add3A_440 = arith.addf %scan3A_389, %mul3A_439 : vector<16xf32>
        scf.yield %add3A_419, %add3A_426, %add3A_433, %add3A_440 : vector<16xf32>, vector<16xf32>, vector<16xf32>, vector<16xf32>
      }
      %scan3A_243 = arith.constant 31 : i32
      %get3A_244 = arith.constant 0 : index
      %get3A_245 = tpu.vector_load %arg26[%get3A_244] {strides = array<i32>} : memref<32xf32, #tpu.memory_space<vmem>>, vector<16xf32>,
      %mul3A_246 = arith.mulf %mul3A_232, %get3A_245 : vector<16xf32>
      %get3A_247 = arith.constant 16 : index
      %get3A_248 = tpu.vector_load %arg26[%get3A_247] {strides = array<i32>} : memref<32xf32, #tpu.memory_space<vmem>>, vector<16xf32>,
      %mul3A_249 = arith.mulf %mul3A_233, %get3A_248 : vector<16xf32>
      %add3A_250 = arith.addf %mul3A_246, %mul3A_249 : vector<16xf32>
      %reduce_sum3A = arith.constant true
      %reduce_sum3A_251 = vector.broadcast %reduce_sum3A : i1 to vector<16xi1>
      %reduce_sum3A_252 = tpu.scan <sum>, %add3A_250 masked %reduce_sum3A_251 : vector<16xf32>, vector<16xi1> -> vector<16xf32>
      %reduce_sum3A_253 = vector.extract %reduce_sum3A_252[15] : f32 from vector<16xf32>
      %get3A_254 = arith.constant 0 : index
      %get3A_255 = tpu.vector_load %arg28[%get3A_254] {strides = array<i32>} : memref<64xf32, #tpu.memory_space<vmem>>, vector<16xf32>,
      %mul3A_256 = arith.mulf %get3A_255, %scan3A_242#0 : vector<16xf32>
      %reduce_sum3A_257 = arith.constant true
      %reduce_sum3A_258 = vector.broadcast %reduce_sum3A_257 : i1 to vector<16xi1>
      %reduce_sum3A_259 = tpu.scan <sum>, %mul3A_256 masked %reduce_sum3A_258 : vector<16xf32>, vector<16xi1> -> vector<16xf32>
      %reduce_sum3A_260 = vector.extract %reduce_sum3A_259[15] : f32 from vector<16xf32>
      %add3A_261 = arith.constant 0.000000e+00 : f32
      %add3A_262 = arith.addf %add3A_261, %reduce_sum3A_260 : f32
      %mul3A_263 = arith.mulf %scan3A_242#0, %scan3A_242#0 : vector<16xf32>
      %reduce_sum3A_264 = arith.constant true
      %reduce_sum3A_265 = vector.broadcast %reduce_sum3A_264 : i1 to vector<16xi1>
      %reduce_sum3A_266 = tpu.scan <sum>, %mul3A_263 masked %reduce_sum3A_265 : vector<16xf32>, vector<16xi1> -> vector<16xf32>
      %reduce_sum3A_267 = vector.extract %reduce_sum3A_266[15] : f32 from vector<16xf32>
      %add3A_268 = arith.constant 0.000000e+00 : f32
      %add3A_269 = arith.addf %add3A_268, %reduce_sum3A_267 : f32
      %get3A_270 = arith.constant 16 : index
      %get3A_271 = tpu.vector_load %arg28[%get3A_270] {strides = array<i32>} : memref<64xf32, #tpu.memory_space<vmem>>, vector<16xf32>,
      %mul3A_272 = arith.mulf %get3A_271, %scan3A_242#1 : vector<16xf32>
      %reduce_sum3A_273 = arith.constant true
      %reduce_sum3A_274 = vector.broadcast %reduce_sum3A_273 : i1 to vector<16xi1>
      %reduce_sum3A_275 = tpu.scan <sum>, %mul3A_272 masked %reduce_sum3A_274 : vector<16xf32>, vector<16xi1> -> vector<16xf32>
      %reduce_sum3A_276 = vector.extract %reduce_sum3A_275[15] : f32 from vector<16xf32>
      %add3A_277 = arith.addf %add3A_262, %reduce_sum3A_276 : f32
      %mul3A_278 = arith.mulf %scan3A_242#1, %scan3A_242#1 : vector<16xf32>
      %reduce_sum3A_279 = arith.constant true
      %reduce_sum3A_280 = vector.broadcast %reduce_sum3A_279 : i1 to vector<16xi1>
      %reduce_sum3A_281 = tpu.scan <sum>, %mul3A_278 masked %reduce_sum3A_280 : vector<16xf32>, vector<16xi1> -> vector<16xf32>
      %reduce_sum3A_282 = vector.extract %reduce_sum3A_281[15] : f32 from vector<16xf32>
      %add3A_283 = arith.addf %add3A_269, %reduce_sum3A_282 : f32
      %get3A_284 = arith.constant 32 : index
      %get3A_285 = tpu.vector_load %arg28[%get3A_284] {strides = array<i32>} : memref<64xf32, #tpu.memory_space<vmem>>, vector<16xf32>,
      %mul3A_286 = arith.mulf %get3A_285, %scan3A_242#2 : vector<16xf32>
      %reduce_sum3A_287 = arith.constant true
      %reduce_sum3A_288 = vector.broadcast %reduce_sum3A_287 : i1 to vector<16xi1>
      %reduce_sum3A_289 = tpu.scan <sum>, %mul3A_286 masked %reduce_sum3A_288 : vector<16xf32>, vector<16xi1> -> vector<16xf32>
      %reduce_sum3A_290 = vector.extract %reduce_sum3A_289[15] : f32 from vector<16xf32>
      %add3A_291 = arith.addf %add3A_277, %reduce_sum3A_290 : f32
      %mul3A_292 = arith.mulf %scan3A_242#2, %scan3A_242#2 : vector<16xf32>
      %reduce_sum3A_293 = arith.constant true
      %reduce_sum3A_294 = vector.broadcast %reduce_sum3A_293 : i1 to vector<16xi1>
      %reduce_sum3A_295 = tpu.scan <sum>, %mul3A_292 masked %reduce_sum3A_294 : vector<16xf32>, vector<16xi1> -> vector<16xf32>
      %reduce_sum3A_296 = vector.extract %reduce_sum3A_295[15] : f32 from vector<16xf32>
      %add3A_297 = arith.addf %add3A_283, %reduce_sum3A_296 : f32
      %get3A_298 = arith.constant 48 : index
      %get3A_299 = tpu.vector_load %arg28[%get3A_298] {strides = array<i32>} : memref<64xf32, #tpu.memory_space<vmem>>, vector<16xf32>,
      %mul3A_300 = arith.mulf %get3A_299, %scan3A_242#3 : vector<16xf32>
      %reduce_sum3A_301 = arith.constant true
      %reduce_sum3A_302 = vector.broadcast %reduce_sum3A_301 : i1 to vector<16xi1>
      %reduce_sum3A_303 = tpu.scan <sum>, %mul3A_300 masked %reduce_sum3A_302 : vector<16xf32>, vector<16xi1> -> vector<16xf32>
      %reduce_sum3A_304 = vector.extract %reduce_sum3A_303[15] : f32 from vector<16xf32>
      %add3A_305 = arith.addf %add3A_291, %reduce_sum3A_304 : f32
      %mul3A_306 = arith.mulf %scan3A_242#3, %scan3A_242#3 : vector<16xf32>
      %reduce_sum3A_307 = arith.constant true
      %reduce_sum3A_308 = vector.broadcast %reduce_sum3A_307 : i1 to vector<16xi1>
      %reduce_sum3A_309 = tpu.scan <sum>, %mul3A_306 masked %reduce_sum3A_308 : vector<16xf32>, vector<16xi1> -> vector<16xf32>
      %reduce_sum3A_310 = vector.extract %reduce_sum3A_309[15] : f32 from vector<16xf32>
      %add3A_311 = arith.addf %add3A_297, %reduce_sum3A_310 : f32
      %add3A_312 = arith.addf %reduce_sum3A_253, %add3A_305 : f32
      %mul3A_313 = arith.constant 5.000000e-01 : f32
      %mul3A_314 = arith.mulf %mul3A_313, %add3A_311 : f32
      %add3A_315 = arith.addf %add3A_312, %mul3A_314 : f32
      %mul3A_316 = arith.mulf %select_n3A_222, %sub3A_202 : vector<16xf32>
      %mul3A_317 = arith.mulf %select_n3A_231, %sub3A_205 : vector<16xf32>
      %add3A_318 = arith.addf %mul3A_316, %mul3A_317 : vector<16xf32>
      %reduce_sum3A_319 = arith.constant true
      %reduce_sum3A_320 = vector.broadcast %reduce_sum3A_319 : i1 to vector<16xi1>
      %reduce_sum3A_321 = tpu.scan <sum>, %add3A_318 masked %reduce_sum3A_320 : vector<16xf32>, vector<16xi1> -> vector<16xf32>
      %reduce_sum3A_322 = vector.extract %reduce_sum3A_321[15] : f32 from vector<16xf32>
      %mul3A_323 = arith.constant 2.000000e+00 : f32
      %mul3A_324 = arith.mulf %mul3A_323, %reduce_sum3A_322 : f32
      %sub3A_325 = arith.subf %add3A_315, %mul3A_324 : f32
      %neg3A = arith.constant 0.000000e+00 : f32
      %neg3A_326 = vector.broadcast %neg3A : f32 to vector<16xf32>
      %neg3A_327 = arith.subf %neg3A_326, %sub3A_202 : vector<16xf32>
      %sub3A_328 = arith.subf %neg3A_327, %gather3A_192 : vector<16xf32>
      %exp3A = math.exp %sub3A_328 : vector<16xf32>
      %sub3A_329 = arith.subf %sub3A_202, %gather3A_192 : vector<16xf32>
      %exp3A_330 = math.exp %sub3A_329 : vector<16xf32>
      %sub3A_331 = arith.subf %exp3A, %exp3A_330 : vector<16xf32>
      %mul3A_332 = arith.mulf %select_n3A_222, %sub3A_331 : vector<16xf32>
      %neg3A_333 = arith.constant 0.000000e+00 : f32
      %neg3A_334 = vector.broadcast %neg3A_333 : f32 to vector<16xf32>
      %neg3A_335 = arith.subf %neg3A_334, %sub3A_205 : vector<16xf32>
      %sub3A_336 = arith.subf %neg3A_335, %gather3A_192 : vector<16xf32>
      %exp3A_337 = math.exp %sub3A_336 : vector<16xf32>
      %sub3A_338 = arith.subf %sub3A_205, %gather3A_192 : vector<16xf32>
      %exp3A_339 = math.exp %sub3A_338 : vector<16xf32>
      %sub3A_340 = arith.subf %exp3A_337, %exp3A_339 : vector<16xf32>
      %mul3A_341 = arith.mulf %select_n3A_231, %sub3A_340 : vector<16xf32>
      %add3A_342 = arith.addf %mul3A_332, %mul3A_341 : vector<16xf32>
      %reduce_sum3A_343 = arith.constant true
      %reduce_sum3A_344 = vector.broadcast %reduce_sum3A_343 : i1 to vector<16xi1>
      %reduce_sum3A_345 = tpu.scan <sum>, %add3A_342 masked %reduce_sum3A_344 : vector<16xf32>, vector<16xi1> -> vector<16xf32>
      %reduce_sum3A_346 = vector.extract %reduce_sum3A_345[15] : f32 from vector<16xf32>
      %add3A_347 = vector.broadcast %reduce_sum3A_346 : f32 to vector<16xf32>
      %add3A_348 = arith.addf %gather3A_195, %add3A_347 : vector<16xf32>
      %add3A_349 = vector.broadcast %sub3A_325 : f32 to vector<16xf32>
      %add3A_350 = arith.addf %broadcast_in_dim3A_2, %add3A_349 : vector<16xf32>
      %jit3A_351 = arith.constant -6.000000e+01 : f32
      %jit3A_352 = arith.constant 6.000000e+01 : f32
      %max3A = vector.broadcast %jit3A_351 : f32 to vector<16xf32>
      %max3A_353 = arith.maximumf %max3A, %add3A_350 : vector<16xf32>
      %min3A = vector.broadcast %jit3A_352 : f32 to vector<16xf32>
      %min3A_354 = arith.minimumf %min3A, %max3A_353 : vector<16xf32>
      %exp3A_355 = math.exp %min3A_354 : vector<16xf32>
      %mul3A_356 = arith.mulf %exp3A_355, %gather3A_195 : vector<16xf32>
      %max3A_357 = arith.constant 1.000000e-30 : f32
      %max3A_358 = vector.broadcast %max3A_357 : f32 to vector<16xf32>
      %max3A_359 = arith.maximumf %add3A_348, %max3A_358 : vector<16xf32>
      %mul3A_360 = arith.mulf %gather3A_189, %max3A_359 : vector<16xf32>
      %gt3A = arith.cmpf ogt, %mul3A_356, %mul3A_360 : vector<16xf32>
      %gt3A_361 = arith.constant 0.000000e+00 : f32
      %gt3A_362 = vector.broadcast %gt3A_361 : f32 to vector<16xf32>
      %gt3A_363 = arith.cmpf ogt, %select_n3A_222, %gt3A_362 : vector<16xf32>
      %and3A_364 = arith.andi %gt3A, %gt3A_363 : vector<16xi1>
      %sub3A_365 = arith.constant 1.000000e+00 : f32
      %sub3A_366 = vector.broadcast %sub3A_365 : f32 to vector<16xf32>
      %sub3A_367 = arith.subf %sub3A_366, %gather3A : vector<16xf32>
      %select_n3A_368 = arith.select %and3A_364, %sub3A_367, %gather3A : vector<16xi1>, vector<16xf32>
      %gt3A_369 = arith.constant 0.000000e+00 : f32
      %gt3A_370 = vector.broadcast %gt3A_369 : f32 to vector<16xf32>
      %gt3A_371 = arith.cmpf ogt, %select_n3A_231, %gt3A_370 : vector<16xf32>
      %and3A_372 = arith.andi %gt3A, %gt3A_371 : vector<16xi1>
      %sub3A_373 = arith.constant 1.000000e+00 : f32
      %sub3A_374 = vector.broadcast %sub3A_373 : f32 to vector<16xf32>
      %sub3A_375 = arith.subf %sub3A_374, %gather3A_176 : vector<16xf32>
      %select_n3A_376 = arith.select %and3A_372, %sub3A_375, %gather3A_176 : vector<16xi1>, vector<16xf32>
      %ge3A = arith.constant 0 : i32
      %ge3A_377 = vector.broadcast %ge3A : i32 to vector<16xi32>
      %ge3A_378 = arith.cmpi sge, %iota3A, %ge3A_377 : vector<16xi32>
      tpu.vector_store_idx %arg14[%get3A_82], %select_n3A_368 masked %ge3A_378 : memref<32768xf32, #tpu.memory_space<vmem>>[vector<16xi32>], vector<16xf32>, vector<16xi1>
      %lt3A_379 = arith.constant 15 : i32
      %lt3A_380 = vector.broadcast %lt3A_379 : i32 to vector<16xi32>
      %lt3A_381 = arith.cmpi slt, %iota3A, %lt3A_380 : vector<16xi32>
      tpu.vector_store_idx %arg14[%get3A_84], %select_n3A_376 masked %lt3A_381 : memref<32768xf32, #tpu.memory_space<vmem>>[vector<16xi32>], vector<16xf32>, vector<16xi1>
      "tpu.region"() ({
        %run_scoped3A = tpu.sem_alloc : memref<!tpu.dma_semaphore, #tpu.memory_space<semaphore_mem>>
        %dma_start3A_385 = arith.constant 0 : i32
        %dma_start3A_386 = tpu.memref_slice %arg13[%add3A_17, %dma_start3A_385] : memref<128x32768xf32, #tpu.memory_space<hbm>> -> memref<1x32768xf32, #tpu.memory_space<hbm>>
        %dma_start3A_387 = tpu.memref_squeeze %dma_start3A_386 : memref<1x32768xf32, #tpu.memory_space<hbm>> -> memref<32768xf32, #tpu.memory_space<hbm>>
        %dma_start3A_388 = arith.constant 0 : i32
        %dma_start3A_389 = tpu.memref_slice %arg13[%add3A_17, %dma_start3A_388] : memref<128x32768xf32, #tpu.memory_space<hbm>> -> memref<1x32768xf32, #tpu.memory_space<hbm>>
        %dma_start3A_390 = tpu.memref_squeeze %dma_start3A_389 : memref<1x32768xf32, #tpu.memory_space<hbm>> -> memref<32768xf32, #tpu.memory_space<hbm>>
        tpu.enqueue_dma source(%arg14 : memref<32768xf32, #tpu.memory_space<vmem>>) target(%dma_start3A_390 : memref<32768xf32, #tpu.memory_space<hbm>>) target_semaphore(%run_scoped3A : memref<!tpu.dma_semaphore, #tpu.memory_space<semaphore_mem>>)
        %dma_wait3A_391 = arith.constant 0 : i32
        %dma_wait3A_392 = tpu.memref_slice %arg13[%add3A_17, %dma_wait3A_391] : memref<128x32768xf32, #tpu.memory_space<hbm>> -> memref<1x32768xf32, #tpu.memory_space<hbm>>
        %dma_wait3A_393 = tpu.memref_squeeze %dma_wait3A_392 : memref<1x32768xf32, #tpu.memory_space<hbm>> -> memref<32768xf32, #tpu.memory_space<hbm>>
        %dma_wait3A_394 = arith.constant 0 : i32
        %dma_wait3A_395 = tpu.memref_slice %arg13[%add3A_17, %dma_wait3A_394] : memref<128x32768xf32, #tpu.memory_space<hbm>> -> memref<1x32768xf32, #tpu.memory_space<hbm>>
        %dma_wait3A_396 = tpu.memref_squeeze %dma_wait3A_395 : memref<1x32768xf32, #tpu.memory_space<hbm>> -> memref<32768xf32, #tpu.memory_space<hbm>>
        tpu.wait_dma2 semaphore(%run_scoped3A : memref<!tpu.dma_semaphore, #tpu.memory_space<semaphore_mem>>) src(%arg14 : memref<32768xf32, #tpu.memory_space<vmem>>) dst(%dma_wait3A_396 : memref<32768xf32, #tpu.memory_space<hbm>>)
        tpu.yield
      }) : () -> ()
      %lt3A_382 = arith.constant 3 : i32
      %lt3A_383 = arith.cmpi slt, %scan3A_16, %lt3A_382 : i32
      %convert_element_type3A = arith.extui %lt3A_383 : i1 to i32
      %cond3A = arith.constant 0 : i32
      %cond3A_384 = arith.cmpi ne, %convert_element_type3A, %cond3A : i32
      scf.if %cond3A_384 {
        %add3A_385 = arith.constant 1 : i32
        %add3A_386 = arith.addi %add3A_17, %add3A_385 : i32
        %dma_start3A_387 = arith.constant 0 : i32
        %dma_start3A_388 = tpu.memref_slice %arg2[%add3A_386, %dma_start3A_387] : memref<128x32768xf32, #tpu.memory_space<hbm>> -> memref<1x32768xf32, #tpu.memory_space<hbm>>
        %dma_start3A_389 = tpu.memref_squeeze %dma_start3A_388 : memref<1x32768xf32, #tpu.memory_space<hbm>> -> memref<32768xf32, #tpu.memory_space<hbm>>
        %dma_start3A_390 = arith.constant 0 : i32
        %dma_start3A_391 = tpu.memref_slice %arg2[%add3A_386, %dma_start3A_390] : memref<128x32768xf32, #tpu.memory_space<hbm>> -> memref<1x32768xf32, #tpu.memory_space<hbm>>
        %dma_start3A_392 = tpu.memref_squeeze %dma_start3A_391 : memref<1x32768xf32, #tpu.memory_space<hbm>> -> memref<32768xf32, #tpu.memory_space<hbm>>
        tpu.enqueue_dma source(%dma_start3A_392 : memref<32768xf32, #tpu.memory_space<hbm>>) target(%arg14 : memref<32768xf32, #tpu.memory_space<vmem>>) target_semaphore(%arg35 : memref<!tpu.dma_semaphore, #tpu.memory_space<semaphore_mem>>)
      } else {
      }
    }
    %scan3A_15 = arith.constant 4 : i32
    return
  }
}

module attributes {stable_mosaic.version = 14 : i64} {
  func.func @_score_kernel(%arg0: i32, %arg1: i32, %arg2: memref<128x4096xf32, #tpu.memory_space<vmem>>, %arg3: memref<128x4096xf32, #tpu.memory_space<vmem>>, %arg4: memref<4096x64xf32, #tpu.memory_space<vmem>>, %arg5: memref<1x4096xf32, #tpu.memory_space<vmem>>, %arg6: memref<128x64xf32, #tpu.memory_space<vmem>>, %arg7: memref<128x4096xf32, #tpu.memory_space<vmem>>, %arg8: memref<1x128x32xf32, #tpu.memory_space<vmem>>, %arg9: memref<128x1xf32, #tpu.memory_space<vmem>>, %arg10: memref<128x1xf32, #tpu.memory_space<vmem>>, %arg11: memref<128x1xf32, #tpu.memory_space<vmem>>, %arg12: memref<128x1xf32, #tpu.memory_space<vmem>>) attributes {dimension_semantics = [#tpu.dimension_semantics<arbitrary>, #tpu.dimension_semantics<arbitrary>], iteration_bounds = array<i64: 8, 1>, scalar_prefetch = 0 : i64, scratch_operands = 2 : i64, tpu.core_type = #tpu.core_type<tc>, window_params = [{transform_indices = @transform_0, window_bounds = array<i64: 128, 4096>}, {transform_indices = @transform_1, window_bounds = array<i64: 128, 4096>}, {transform_indices = @transform_2, window_bounds = array<i64: 4096, 64>}, {transform_indices = @transform_3, window_bounds = array<i64: 1, 4096>}, {transform_indices = @transform_4, window_bounds = array<i64: 128, 64>}, {transform_indices = @transform_5, window_bounds = array<i64: 128, 4096>}, {transform_indices = @transform_6, window_bounds = array<i64: 1, 128, 32>}, {transform_indices = @transform_7, window_bounds = array<i64: 128, 1>}, {transform_indices = @transform_8, window_bounds = array<i64: 128, 1>}]} {
    %get3A = arith.constant 0 : index
    %get3A_0 = arith.constant 0 : index
    %get3A_1 = vector.load %arg2[%get3A, %get3A_0] : memref<128x4096xf32, #tpu.memory_space<vmem>>, vector<128x4096xf32>
    %get3A_2 = arith.constant 0 : index
    %get3A_3 = arith.constant 0 : index
    %get3A_4 = vector.load %arg5[%get3A_2, %get3A_3] : memref<1x4096xf32, #tpu.memory_space<vmem>>, vector<1x4096xf32>
    %get3A_5 = arith.constant 0 : index
    %get3A_6 = arith.constant 0 : index
    %get3A_7 = vector.load %arg6[%get3A_5, %get3A_6] : memref<128x64xf32, #tpu.memory_space<vmem>>, vector<128x64xf32>
    %get3A_8 = arith.constant 0 : index
    %get3A_9 = arith.constant 0 : index
    %get3A_10 = vector.load %arg4[%get3A_8, %get3A_9] : memref<4096x64xf32, #tpu.memory_space<vmem>>, vector<4096x64xf32>
    %dot_general3A = arith.constant dense<0.000000e+00> : vector<128x4096xf32>
    %dot_general3A_11 = tpu.matmul %get3A_7, %get3A_10, %dot_general3A {dimension_numbers = #tpu.dot_dimension_numbers<[1], [1], [0], [0], [0, 0, 1, 0], [], []>, transpose_lhs_hint = false} : vector<128x64xf32>, vector<4096x64xf32>, vector<128x4096xf32> -> vector<128x4096xf32>
    %add3A = vector.broadcast %get3A_4 : vector<1x4096xf32> to vector<128x4096xf32>
    %add3A_12 = arith.addf %add3A, %dot_general3A_11 : vector<128x4096xf32>
    %sub3A = arith.constant 5.000000e-01 : f32
    %sub3A_13 = vector.broadcast %sub3A : f32 to vector<128x4096xf32>
    %sub3A_14 = arith.subf %sub3A_13, %get3A_1 : vector<128x4096xf32>
    %mul3A = arith.mulf %sub3A_14, %add3A_12 : vector<128x4096xf32>
    %get3A_15 = arith.constant 0 : index
    %get3A_16 = arith.constant 0 : index
    %get3A_17 = vector.load %arg3[%get3A_15, %get3A_16] : memref<128x4096xf32, #tpu.memory_space<vmem>>, vector<128x4096xf32>
    %add3A_18 = arith.addf %mul3A, %get3A_17 : vector<128x4096xf32>
    %swap3A = arith.constant 0 : index
    %swap3A_19 = arith.constant 0 : index
    %swap3A_20 = vector.load %arg7[%swap3A, %swap3A_19] : memref<128x4096xf32, #tpu.memory_space<vmem>>, vector<128x4096xf32>
    tpu.vector_store %arg7[%swap3A, %swap3A_19], %add3A_18 {strides = array<i32>} : memref<128x4096xf32, #tpu.memory_space<vmem>>, vector<128x4096xf32>,
    %reduce_max3A = arith.constant dense<0xFF800000> : vector<128xf32>
    %reduce_max3A_21 = vector.multi_reduction <maximumf>, %mul3A, %reduce_max3A [1] : vector<128x4096xf32> to vector<128xf32>
    %broadcast_in_dim3A = vector.shape_cast %reduce_max3A_21 : vector<128xf32> to vector<128x1xf32>
    %sub3A_22 = vector.broadcast %broadcast_in_dim3A : vector<128x1xf32> to vector<128x4096xf32>
    %sub3A_23 = arith.subf %mul3A, %sub3A_22 : vector<128x4096xf32>
    %exp3A = math.exp %sub3A_23 : vector<128x4096xf32>
    %reduce_sum3A = arith.constant dense<0.000000e+00> : vector<128xf32>
    %reduce_sum3A_24 = vector.multi_reduction <add>, %exp3A, %reduce_sum3A [1] : vector<128x4096xf32> to vector<128xf32>
    %broadcast_in_dim3A_25 = vector.shape_cast %reduce_sum3A_24 : vector<128xf32> to vector<128x1xf32>
    %mul3A_26 = arith.constant 128 : i32
    %mul3A_27 = arith.muli %arg1, %mul3A_26 : i32
    %reshape3A = vector.shape_cast %add3A_18 : vector<128x4096xf32> to vector<128x32x128xf32>
    %reduce_max3A_28 = arith.constant dense<0xFF800000> : vector<128x32xf32>
    %reduce_max3A_29 = vector.multi_reduction <maximumf>, %reshape3A, %reduce_max3A_28 [2] : vector<128x32x128xf32> to vector<128x32xf32>
    %broadcast_in_dim3A_30 = vector.shape_cast %reduce_max3A_29 : vector<128x32xf32> to vector<1x128x32xf32>
    %swap3A_31 = arith.constant 0 : index
    %swap3A_32 = arith.constant 0 : index
    %swap3A_33 = arith.constant 0 : index
    %swap3A_34 = vector.load %arg8[%swap3A_31, %swap3A_32, %swap3A_33] : memref<1x128x32xf32, #tpu.memory_space<vmem>>, vector<1x128x32xf32>
    tpu.vector_store %arg8[%swap3A_31, %swap3A_32, %swap3A_33], %broadcast_in_dim3A_30 {strides = array<i32>} : memref<1x128x32xf32, #tpu.memory_space<vmem>>, vector<1x128x32xf32>,
    %eq3A = arith.constant 0 : i32
    %eq3A_35 = arith.cmpi eq, %arg0, %eq3A : i32
    %convert_element_type3A = arith.extui %eq3A_35 : i1 to i32
    %cond3A = arith.constant 0 : i32
    %cond3A_36 = arith.cmpi ne, %convert_element_type3A, %cond3A : i32
    scf.if %cond3A_36 {
      %swap3A_46 = arith.index_cast %mul3A_27 : i32 to index
      %swap3A_47 = arith.constant 0 : index
      %swap3A_48 = vector.load %arg11[%swap3A_46, %swap3A_47] : memref<128x1xf32, #tpu.memory_space<vmem>>, vector<128x1xf32>
      tpu.vector_store %arg11[%swap3A_46, %swap3A_47], %broadcast_in_dim3A {strides = array<i32>} : memref<128x1xf32, #tpu.memory_space<vmem>>, vector<128x1xf32>,
      %swap3A_49 = arith.index_cast %mul3A_27 : i32 to index
      %swap3A_50 = arith.constant 0 : index
      %swap3A_51 = vector.load %arg12[%swap3A_49, %swap3A_50] : memref<128x1xf32, #tpu.memory_space<vmem>>, vector<128x1xf32>
      tpu.vector_store %arg12[%swap3A_49, %swap3A_50], %broadcast_in_dim3A_25 {strides = array<i32>} : memref<128x1xf32, #tpu.memory_space<vmem>>, vector<128x1xf32>,
    } else {
    }
    %gt3A = arith.constant 0 : i32
    %gt3A_37 = arith.cmpi sgt, %arg0, %gt3A : i32
    %convert_element_type3A_38 = arith.extui %gt3A_37 : i1 to i32
    %cond3A_39 = arith.constant 0 : i32
    %cond3A_40 = arith.cmpi ne, %convert_element_type3A_38, %cond3A_39 : i32
    scf.if %cond3A_40 {
      %get3A_46 = arith.index_cast %mul3A_27 : i32 to index
      %get3A_47 = arith.constant 0 : index
      %get3A_48 = vector.load %arg11[%get3A_46, %get3A_47] : memref<128x1xf32, #tpu.memory_space<vmem>>, vector<128x1xf32>
      %get3A_49 = arith.index_cast %mul3A_27 : i32 to index
      %get3A_50 = arith.constant 0 : index
      %get3A_51 = vector.load %arg12[%get3A_49, %get3A_50] : memref<128x1xf32, #tpu.memory_space<vmem>>, vector<128x1xf32>
      %max3A = arith.maximumf %get3A_48, %broadcast_in_dim3A : vector<128x1xf32>
      %swap3A_52 = arith.index_cast %mul3A_27 : i32 to index
      %swap3A_53 = arith.constant 0 : index
      %swap3A_54 = vector.load %arg11[%swap3A_52, %swap3A_53] : memref<128x1xf32, #tpu.memory_space<vmem>>, vector<128x1xf32>
      tpu.vector_store %arg11[%swap3A_52, %swap3A_53], %max3A {strides = array<i32>} : memref<128x1xf32, #tpu.memory_space<vmem>>, vector<128x1xf32>,
      %sub3A_55 = arith.subf %get3A_48, %max3A : vector<128x1xf32>
      %exp3A_56 = math.exp %sub3A_55 : vector<128x1xf32>
      %mul3A_57 = arith.mulf %get3A_51, %exp3A_56 : vector<128x1xf32>
      %sub3A_58 = arith.subf %broadcast_in_dim3A, %max3A : vector<128x1xf32>
      %exp3A_59 = math.exp %sub3A_58 : vector<128x1xf32>
      %mul3A_60 = arith.mulf %broadcast_in_dim3A_25, %exp3A_59 : vector<128x1xf32>
      %add3A_61 = arith.addf %mul3A_57, %mul3A_60 : vector<128x1xf32>
      %swap3A_62 = arith.index_cast %mul3A_27 : i32 to index
      %swap3A_63 = arith.constant 0 : index
      %swap3A_64 = vector.load %arg12[%swap3A_62, %swap3A_63] : memref<128x1xf32, #tpu.memory_space<vmem>>, vector<128x1xf32>
      tpu.vector_store %arg12[%swap3A_62, %swap3A_63], %add3A_61 {strides = array<i32>} : memref<128x1xf32, #tpu.memory_space<vmem>>, vector<128x1xf32>,
    } else {
    }
    %eq3A_41 = arith.constant 7 : i32
    %eq3A_42 = arith.cmpi eq, %arg0, %eq3A_41 : i32
    %convert_element_type3A_43 = arith.extui %eq3A_42 : i1 to i32
    %cond3A_44 = arith.constant 0 : i32
    %cond3A_45 = arith.cmpi ne, %convert_element_type3A_43, %cond3A_44 : i32
    scf.if %cond3A_45 {
      %get3A_46 = arith.index_cast %mul3A_27 : i32 to index
      %get3A_47 = arith.constant 0 : index
      %get3A_48 = vector.load %arg11[%get3A_46, %get3A_47] : memref<128x1xf32, #tpu.memory_space<vmem>>, vector<128x1xf32>
      %swap3A_49 = arith.constant 0 : index
      %swap3A_50 = arith.constant 0 : index
      %swap3A_51 = vector.load %arg9[%swap3A_49, %swap3A_50] : memref<128x1xf32, #tpu.memory_space<vmem>>, vector<128x1xf32>
      tpu.vector_store %arg9[%swap3A_49, %swap3A_50], %get3A_48 {strides = array<i32>} : memref<128x1xf32, #tpu.memory_space<vmem>>, vector<128x1xf32>,
      %get3A_52 = arith.index_cast %mul3A_27 : i32 to index
      %get3A_53 = arith.constant 0 : index
      %get3A_54 = vector.load %arg12[%get3A_52, %get3A_53] : memref<128x1xf32, #tpu.memory_space<vmem>>, vector<128x1xf32>
      %swap3A_55 = arith.constant 0 : index
      %swap3A_56 = arith.constant 0 : index
      %swap3A_57 = vector.load %arg10[%swap3A_55, %swap3A_56] : memref<128x1xf32, #tpu.memory_space<vmem>>, vector<128x1xf32>
      tpu.vector_store %arg10[%swap3A_55, %swap3A_56], %get3A_54 {strides = array<i32>} : memref<128x1xf32, #tpu.memory_space<vmem>>, vector<128x1xf32>,
    } else {
    }
    return
  }
  func.func @transform_0(%arg0: i32, %arg1: i32) -> (i32, i32) {
    %c0_i32 = arith.constant 0 : i32
    return %arg1, %arg0 : i32, i32
  }
  func.func @transform_1(%arg0: i32, %arg1: i32) -> (i32, i32) {
    %c0_i32 = arith.constant 0 : i32
    return %arg1, %arg0 : i32, i32
  }
  func.func @transform_2(%arg0: i32, %arg1: i32) -> (i32, i32) {
    %c0_i32 = arith.constant 0 : i32
    %c0_i32_0 = arith.constant 0 : i32
    return %arg0, %c0_i32 : i32, i32
  }
  func.func @transform_3(%arg0: i32, %arg1: i32) -> (i32, i32) {
    %c0_i32 = arith.constant 0 : i32
    %c0_i32_0 = arith.constant 0 : i32
    return %c0_i32, %arg0 : i32, i32
  }
  func.func @transform_4(%arg0: i32, %arg1: i32) -> (i32, i32) {
    %c0_i32 = arith.constant 0 : i32
    %c0_i32_0 = arith.constant 0 : i32
    return %arg1, %c0_i32 : i32, i32
  }
  func.func @transform_5(%arg0: i32, %arg1: i32) -> (i32, i32) {
    %c0_i32 = arith.constant 0 : i32
    return %arg1, %arg0 : i32, i32
  }
  func.func @transform_6(%arg0: i32, %arg1: i32) -> (i32, i32, i32) {
    %c0_i32 = arith.constant 0 : i32
    %c0_i32_0 = arith.constant 0 : i32
    return %arg0, %arg1, %c0_i32 : i32, i32, i32
  }
  func.func @transform_7(%arg0: i32, %arg1: i32) -> (i32, i32) {
    %c0_i32 = arith.constant 0 : i32
    %c0_i32_0 = arith.constant 0 : i32
    return %arg1, %c0_i32 : i32, i32
  }
  func.func @transform_8(%arg0: i32, %arg1: i32) -> (i32, i32) {
    %c0_i32 = arith.constant 0 : i32
    %c0_i32_0 = arith.constant 0 : i32
    return %arg1, %c0_i32 : i32, i32
  }
}

module attributes {stable_mosaic.version = 14 : i64} {
  func.func @_acc_kernel(%arg0: i32, %arg1: memref<128x4096xf32, #tpu.memory_space<vmem>>, %arg2: memref<4096x64xf32, #tpu.memory_space<vmem>>, %arg3: memref<128x64xf32, #tpu.memory_space<vmem>>) attributes {dimension_semantics = [#tpu.dimension_semantics<arbitrary>], iteration_bounds = array<i64: 8>, scalar_prefetch = 0 : i64, scratch_operands = 0 : i64, tpu.core_type = #tpu.core_type<tc>, window_params = [{transform_indices = @transform_0, window_bounds = array<i64: 128, 4096>}, {transform_indices = @transform_1, window_bounds = array<i64: 4096, 64>}, {pipeline_mode = #tpu.pipeline_mode<synchronous>, transform_indices = @transform_2, window_bounds = array<i64: 128, 64>}]} {
    %eq3A = arith.constant 0 : i32
    %eq3A_0 = arith.cmpi eq, %arg0, %eq3A : i32
    %convert_element_type3A = arith.extui %eq3A_0 : i1 to i32
    %cond3A = arith.constant 0 : i32
    %cond3A_1 = arith.cmpi ne, %convert_element_type3A, %cond3A : i32
    scf.if %cond3A_1 {
      %broadcast_in_dim3A = arith.constant 0.000000e+00 : f32
      %broadcast_in_dim3A_13 = vector.broadcast %broadcast_in_dim3A : f32 to vector<128x64xf32>
      %swap3A_14 = arith.constant 0 : index
      %swap3A_15 = arith.constant 0 : index
      %swap3A_16 = vector.load %arg3[%swap3A_14, %swap3A_15] : memref<128x64xf32, #tpu.memory_space<vmem>>, vector<128x64xf32>
      tpu.vector_store %arg3[%swap3A_14, %swap3A_15], %broadcast_in_dim3A_13 {strides = array<i32>} : memref<128x64xf32, #tpu.memory_space<vmem>>, vector<128x64xf32>,
    } else {
    }
    %get3A = arith.constant 0 : index
    %get3A_2 = arith.constant 0 : index
    %get3A_3 = vector.load %arg3[%get3A, %get3A_2] : memref<128x64xf32, #tpu.memory_space<vmem>>, vector<128x64xf32>
    %get3A_4 = arith.constant 0 : index
    %get3A_5 = arith.constant 0 : index
    %get3A_6 = vector.load %arg1[%get3A_4, %get3A_5] : memref<128x4096xf32, #tpu.memory_space<vmem>>, vector<128x4096xf32>
    %get3A_7 = arith.constant 0 : index
    %get3A_8 = arith.constant 0 : index
    %get3A_9 = vector.load %arg2[%get3A_7, %get3A_8] : memref<4096x64xf32, #tpu.memory_space<vmem>>, vector<4096x64xf32>
    %dot_general3A = arith.constant dense<0.000000e+00> : vector<128x64xf32>
    %dot_general3A_10 = tpu.matmul %get3A_6, %get3A_9, %dot_general3A {dimension_numbers = #tpu.dot_dimension_numbers<[1], [0], [0], [1], [0, 0, 1, 1], [], []>, transpose_lhs_hint = false} : vector<128x4096xf32>, vector<4096x64xf32>, vector<128x64xf32> -> vector<128x64xf32>
    %add3A = arith.addf %get3A_3, %dot_general3A_10 : vector<128x64xf32>
    %swap3A = arith.constant 0 : index
    %swap3A_11 = arith.constant 0 : index
    %swap3A_12 = vector.load %arg3[%swap3A, %swap3A_11] : memref<128x64xf32, #tpu.memory_space<vmem>>, vector<128x64xf32>
    tpu.vector_store %arg3[%swap3A, %swap3A_11], %add3A {strides = array<i32>} : memref<128x64xf32, #tpu.memory_space<vmem>>, vector<128x64xf32>,
    return
  }
  func.func @transform_0(%arg0: i32) -> (i32, i32) {
    %c0_i32 = arith.constant 0 : i32
    %c0_i32_0 = arith.constant 0 : i32
    return %c0_i32, %arg0 : i32, i32
  }
  func.func @transform_1(%arg0: i32) -> (i32, i32) {
    %c0_i32 = arith.constant 0 : i32
    %c0_i32_0 = arith.constant 0 : i32
    return %arg0, %c0_i32 : i32, i32
  }
  func.func @transform_2(%arg0: i32) -> (i32, i32) {
    %c0_i32 = arith.constant 0 : i32
    %c0_i32_0 = arith.constant 0 : i32
    %c0_i32_1 = arith.constant 0 : i32
    return %c0_i32, %c0_i32_0 : i32, i32
  }
}

</mosaic_0001>

<sc_bundles>
// kernel: kernel.5.cloned.1.call-start
scs
__scs_entry_jumppad:
0x0: {  	(pc) =	sbr.rel $0x88, $3  }
0x1: {  	(tag) =	ssettag $0x0;
	lr =	simm.s32 $0x1  }
0x2: {  	[smem:$0x3F9B] =	sst lr;
	_ =	strace $0xD0000000  }
0x3: {  	_ = 	snop  }
0x4: {  	_ = 	snop  }
0x5: {  	_ = 	snop  }
0x6: {  	_ = 	snop  }
0x7: {  	_ = 	snop  }
__scs_overlays_trampoline_lowered:
0x8: {  	[smem:$0x3FAA] =	sst s0  }
0x9: {  	[smem:$0x3FAB] =	sst s1  }
0xa: {  	[smem:$0x3FAC] =	sst s2  }
0xb: {  	[smem:$0x3FAD] =	sst s3  }
0xc: {  	[smem:$0x3FAE] =	sst s4  }
0xd: {  	[smem:$0x3FAF] =	sst s5  }
0xe: {  	[smem:$0x3FB0] =	sst s6  }
0xf: {  	[smem:$0x3FB1] =	sst s7  }
0x10: {  	[smem:$0x3FB2] =	sst s8  }
0x11: {  	[smem:$0x3FB3] =	sst s9;
	s0 =	simm.s32 @!p0 $0x0  }
0x12: {  	s1 =	sld [smem:$0x3F99];
	s0 =	simm.s32 @p0 $0x1  }
0x13: {  	[smem:$0x3FB4] =	sst s0;
	s0 =	simm.s32 @!p1 $0x0  }
0x14: {  	s2 =	sld [smem:$0x3F98];
	s0 =	simm.s32 @p1 $0x1  }
0x15: {  	[smem:$0x3FB5] =	sst s0;
	s0 =	simm.s32 @!p2 $0x0  }
0x16: {  	s3 =	sld [smem:$0x3FDB];
	s0 =	simm.s32 @p2 $0x1  }
0x17: {  	s4 =	simm.s32 $0x1BF5;
	[smem:$0x3FB7] =	sst s0  }
0x18: {  	s0 =	sld [smem:$0x3F9A];
	_ =	swait.ge [sflag:s4], $0x0  }
0x19: {  	s7 =	sld [smem:$0x3F9B]  }
0x1a: {  	s8 =	sadd.s32 $0xFFFFE003, lr  }
0x1b: {  	s9 =	sadd.s32 $0xFFFFFEF7, lr;
	s5 =	simm.s32 $0xFFFFFFFF;
	p2 =	slt.u32 s8, $0xFFFFF086  }
0x1c: {  	p1 =	slt.u32 s9, $0xF7A;
	s5 =	simm.s32 @!p2 $0x0  }
0x1d: {  	s5 =	simm.s32 @p1 $0x1;
	p0 =	seq.s32 s7, s2  }
0x1e: {  	s7 =	smul.u32 @!p0 $0xF7A, s2;
	p2 =	seq.s32 @!p0 s5, $0x0  }
0x1f: {  	s9 =	smul.u32 $0xF7A, s1;
	s8 =	simm.s32 @!p0 $0x1BF5;
	p2 =	por !p2, p0  }
0x20: {  	[sflag:s8] =	ssyncset.s32 @!p0 $0xFFFFF086;
	s6 =	sadd.s32 @!p0 s3, s7;
	s7 =	simm.s32 @!p0 $0x108  }
0x21: {  	s3 =	sadd.s32 s3, s9;
	s6 =	sadd.s32 @!p0 $0x88, s6;
	s7 =	simm.s32 @p2 $0x1082  }
0x22: {  	[simem:s7], [sflag:s8] =	dma.local @!p0 [hbm:s6], $0xF7A  }
0x23: {  	s9 =	sor.u32 $0xD0000000, s2;
	s6 =	simm.s32 $0x108;
	_ =	swait.ge @!p0 [sflag:s8], $0x0  }
0x24: {  	s3 =	sadd.s32 $0x88, s3;
	s6 =	simm.s32 @!p1 $0x1082;
	[sflag:s4] =	ssyncset.s32 $0xFFFFF086  }
0x25: {  	[simem:s6], [sflag:s4] =	dma.local [hbm:s3], $0xF7A  }
0x26: {  	[smem:$0x3F9B] =	sst s1;
	(tag) =	ssettag s2;
	_ =	strace s9  }
0x27: {  	s1 =	sld [smem:$0x3FAB]  }
0x28: {  	s2 =	sld [smem:$0x3FAC]  }
0x29: {  	s4 =	sld [smem:$0x3FAE]  }
0x2a: {  	p0 =	seq.s32 s5, $0x0;
	s5 =	sld [smem:$0x3FAF]  }
0x2b: {  	s6 =	sld [smem:$0x3FB0]  }
0x2c: {  	s7 =	sld [smem:$0x3FB1]  }
0x2d: {  	s3 =	simm.s32 $0x108;
	s8 =	sld [smem:$0x3FB2]  }
0x2e: {  	s3 =	simm.s32 @!p0 $0x1082;
	s9 =	sld [smem:$0x3FB3]  }
0x2f: {  	lr =	sadd.s32 s0, s3;
	s0 =	sld [smem:$0x3FAA]  }
0x30: {  	s3 =	sld [smem:$0x3FAD]  }
0x31: {  	[smem:$0x3FB6] =	sst s10  }
0x32: {  	s10 =	sld [smem:$0x3FB4];
	_ =	sdelay $0x3  }
0x33: {  	p0 =	seq.s32 s10, $0x1;
	s10 =	sld [smem:$0x3FB6];
	_ =	sdelay $0x3  }
0x34: {  	[smem:$0x3FB6] =	sst s10  }
0x35: {  	s10 =	sld [smem:$0x3FB5];
	_ =	sdelay $0x3  }
0x36: {  	p1 =	seq.s32 s10, $0x1;
	s10 =	sld [smem:$0x3FB6];
	_ =	sdelay $0x3  }
0x37: {  	[smem:$0x3FB6] =	sst s10  }
0x38: {  	s10 =	sld [smem:$0x3FB7]  }
0x39: {  	_ = 	snop;
	(pc) =	sbr.ind lr, $3  }
0x3a: {  	_ = 	snop  }
0x3b: {  	_ = 	snop  }
0x3c: {  	p2 =	seq.s32 s10, $0x1;
	s10 =	sld [smem:$0x3FB6]  }
0x3d: {  	_ =	shalt  }
0x3e: {  	_ =	shalt  }
0x3f: {  	_ =	shalt  }
0x40: {  	_ =	shalt  }
0x41: {  	_ =	shalt  }
0x42: {  	_ =	shalt  }
0x43: {  	_ =	shalt  }
0x44: {  	_ =	shalt  }
0x45: {  	_ =	shalt  }
0x46: {  	_ =	shalt  }
0x47: {  	_ =	shalt  }
0x48: {  	_ =	shalt  }
0x49: {  	_ =	shalt  }
0x4a: {  	_ =	shalt  }
0x4b: {  	_ =	shalt  }
0x4c: {  	_ =	shalt  }
0x4d: {  	_ =	shalt  }
0x4e: {  	_ =	shalt  }
0x4f: {  	_ =	shalt  }
0x50: {  	_ =	shalt  }
0x51: {  	_ =	shalt  }
0x52: {  	_ =	shalt  }
0x53: {  	_ =	shalt  }
0x54: {  	_ =	shalt  }
0x55: {  	_ =	shalt  }
0x56: {  	_ =	shalt  }
0x57: {  	_ =	shalt  }
0x58: {  	_ =	shalt  }
0x59: {  	_ =	shalt  }
0x5a: {  	_ =	shalt  }
0x5b: {  	_ =	shalt  }
0x5c: {  	_ =	shalt  }
0x5d: {  	_ =	shalt  }
0x5e: {  	_ =	shalt  }
0x5f: {  	_ =	shalt  }
0x60: {  	_ =	shalt  }
0x61: {  	_ =	shalt  }
0x62: {  	_ =	shalt  }
0x63: {  	_ =	shalt  }
0x64: {  	_ =	shalt  }
0x65: {  	_ =	shalt  }
0x66: {  	_ =	shalt  }
0x67: {  	_ =	shalt  }
0x68: {  	_ =	shalt  }
0x69: {  	_ =	shalt  }
0x6a: {  	_ =	shalt  }
0x6b: {  	_ =	shalt  }
0x6c: {  	_ =	shalt  }
0x6d: {  	_ =	shalt  }
0x6e: {  	_ =	shalt  }
0x6f: {  	_ =	shalt  }
0x70: {  	_ =	shalt  }
0x71: {  	_ =	shalt  }
0x72: {  	_ =	shalt  }
0x73: {  	_ =	shalt  }
0x74: {  	_ =	shalt  }
0x75: {  	_ =	shalt  }
0x76: {  	_ =	shalt  }
0x77: {  	_ =	shalt  }
0x78: {  	_ =	shalt  }
0x79: {  	_ =	shalt  }
0x7a: {  	_ =	shalt  }
0x7b: {  	_ =	shalt  }
0x7c: {  	_ =	shalt  }
0x7d: {  	_ =	shalt  }
0x7e: {  	_ =	shalt  }
0x7f: {  	_ =	shalt  }
0x80: {  	_ =	shalt  }
0x81: {  	_ =	shalt  }
0x82: {  	_ =	shalt  }
0x83: {  	_ =	shalt  }
0x84: {  	_ =	shalt  }
0x85: {  	_ =	shalt  }
0x86: {  	_ =	shalt  }
0x87: {  	_ =	shalt  }
.Lfunc_end0:
.L_simem_size_0:
called_computation_lowered:
.L_overlay_start_0:
0x88: {  	s2 =	sld [smem:$0x3FD9]  }
0x89: {  	s3 =	sld [smem:$0x3FFE];
	_ =	sdelay $0x1  }
0x8a: {  	s1 =	srdreg.scid  }
0x8b: {  	s0 =	sand.u32 $0x1, s1  }
0x8c: {  	s17 =	sshll.u32 s0, $0xA;
	s2 =	sadd.s32 s3, s2  }
0x8d: {  	s2 =	sadd.s32 s2, s17  }
0x8e: {  	[smem:$0x3FC2] =	sst s2  }
0x8f: {  	_ = 	snop  }
0x90: {  	s2 =	sld [smem:$0x3FC9]  }
0x91: {  	s18 =	sld [smem:$0x3FC8]  }
0x92: {  	s4 =	sld [smem:$0x3FC6]  }
0x93: {  	s5 =	sld [smem:$0x3FC4]  }
0x94: {  	s6 =	sld [smem:$0x3FD0];
	(tm) =	ssettm $0x1  }
0x95: {  	s7 =	sld [smem:$0x3FFB];
	_ =	sdelay $0x3  }
0x96: {  	_ =	strace s7  }
0x97: {  	s7 =	sld [smem:$0x3FFC];
	_ =	sdelay $0x3  }
0x98: {  	_ =	strace s7  }
0x99: {  	s7 =	sld [smem:$0x3FFD];
	_ =	sdelay $0x3  }
0x9a: {  	_ =	strace s7  }
0x9b: {  	_ =	strace $0x8FFFFFFF  }
0x9c: {  	s19 =	sld [smem:$0x3FDB];
	_ =	sdelay $0x1  }
0x9d: {  	s8 =	simm.s32 $_scs_section_size  }
0x9e: {  	s9 =	simm.s32 $_size__tile_overlayer_lowered;
	s10 =	simm.s32 $_tile_overlayer_lowered  }
0x9f: {  	s22 =	simm.s32 $0x1BFF;
	s21 =	sshll.u32 s10, $0x1;
	s7 =	sadd.s32 s8, s19  }
0xa0: {  	s11 =	simm.s32 $0x0;
	s20 =	sshll.u32 s9, $0x1;
	s9 =	sadd.s32 s21, s7  }
0xa1: {  	[timem:s11], [sflag:s22] =	dma.local [hbm:s9], s20  }
0xa2: {  	_ =	swait.ge [sflag:s22], s20  }
0xa3: {  	s8 =	ssub.s32 $0x0, s20;
	[sflag:s22] =	ssyncset.done $0x0  }
0xa4: {  	[sflag:s22] =	ssyncadd.s32 s8;
	_ =	sdelay $0x1  }
0xa5: {  	s23 =	simm.s32 $0x1B8B  }
0xa6: {  	_ =	swait.ge [sflag:s23], $0x1  }
0xa7: {  	[sflag:s23] =	ssyncset.done $0x0  }
0xa8: {  	s25 =	simm.s32 $0x1B8E;
	s24 =	sld [smem:$0x3FFE];
	[sflag:s23] =	ssyncadd.s32 $0xFFFFFFFF  }
0xa9: {  	s26 =	simm.s32 $execute0_lowered;
	[smem:$0x3FD2] =	sst s25  }
0xaa: {  	s9 =	sshll.u32 s26, $0x1;
	_ =	strace $0x80000046;
	[dreg:$0x1] =	wrdreg $0xFFFFFFFF  }
0xab: {  	s28 =	simm.s32 $_size_execute0_lowered;
	s7 =	sadd.s32 s7, s9;
	[dreg:$0x0] =	wrdreg $0x0  }
0xac: {  	s9 =	sshll.u32 s28, $0x1;
	[dreg:$0x2] =	wrdreg s7  }
0xad: {  	[dreg:$0x3] =	wrdreg s9  }
0xae: {  	[dreg:$0x4] =	wrdreg $0xC0  }
0xaf: {  	_ =	task [dreg:s11], $0x5FFFF  }
0xb0: {  	[dreg:$0x1] =	wrdreg $0xFFFFFFFF  }
0xb1: {  	[dreg:$0x0] =	wrdreg $0x60  }
0xb2: {  	[dreg:$0x2] =	wrdreg s2  }
0xb3: {  	[dreg:$0x3] =	wrdreg s24  }
0xb4: {  	[dreg:$0x4] =	wrdreg s4  }
0xb5: {  	[dreg:$0x5] =	wrdreg s5  }
0xb6: {  	[dreg:$0x6] =	wrdreg s18  }
0xb7: {  	[dreg:$0x7] =	wrdreg s6  }
0xb8: {  	[dreg:$0x8] =	wrdreg $0x9  }
0xb9: {  	_ =	task.clear_ibuf [dreg:s11], $0x9FFFF;
	_ =	strace $0x90000046  }
0xba: {  	s29 =	simm.s32 $0x9;
	_ =	strace $0x80000048  }
0xbb: {  	_ =	swait.ge [sflag:s29], $0x1  }
0xbc: {  	[sflag:s29] =	ssyncadd.s32 $0xFFFFFFFF  }
0xbd: {  	_ =	strace $0x90000048  }
0xbe: {  	_ =	sfence  }
0xbf: {  	s30 =	sld [smem:$0x0];
	_ =	sdelay $0x2  }
0xc0: {  	s31 =	sshll.u32 s1, $0xD;
	s1 =	sshrl.u32 s1, $0x2  }
0xc1: {  	s3 =	sand.u32 $0x4000, s31;
	s1 =	sadd.s32 s1, s30  }
0xc2: {  	s0 =	sor.u32 s3, s0;
	s1 =	sshll.u32 s1, $0x11  }
0xc3: {  	s0 =	sor.u32 s1, s0  }
0xc4: {  	s0 =	sadd.s32 $0x8F2B, s0  }
0xc5: {  	[sflag:s0] =	ssyncadd.remote.s32 $0x1  }
0xc6: {  	_ =	sfence.sel $0xFFFF  }
0xc7: {  	[dreg:$0x0] =	wrdreg $0xFFFFFFFF;
	(pc) =	sbr.abs _section_cstart, $3  }
0xc8: {  	[dreg:$0x1] =	wrdreg $0xFFFFFFFF  }
0xc9: {  	_ =	task.clear_ibuf [dreg:s11], $0x2FFFF;
	_ =	strace $0x9FFFFFFF  }
0xca: {  	(tm) =	ssettm $0x7FFFFFFF  }
0xcb: {  	_ =	shalt  }
tec
execute0_lowered:
.L_overlay_start_1:
0x0: {  	(tag) =	ssettag $0x1  }
0x1: {  	s5 =	rddreg [dreg:$0x0]  }
0x2: {  	s0 =	rddreg [dreg:$0x1]  }
0x3: {  	s6 =	simm.s32 $0x0;
	s20 =	srdreg.scid;
	s7 =	stileid.u32  }
0x4: {  	s29 =	simm.s32 $0x8000;
	s31 =	simm.s32 $0x1;
	s11 =	simm.s32 $0x8480  }
0x5: {  	s9 =	simm.s32 $0x9500;
	s10 =	simm.s32 $0xB500;
	s16 =	simm.s32 $0xB580  }
0x6: {  	s28 =	simm.s32 $0x2;
	s30 =	simm.s32 $0xC880;
	[smem:$0x7FF] =	sst s6  }
0x7: {  	s1 =	sadd.s32 $0x45A00, s0;
	s19 =	sadd.s32 $0x41A00, s0;
	s2 =	sadd.s32 $0xC5A00, s0  }
0x8: {  	s21 =	sadd.s32 $0xC5C00, s0;
	_ =	strace $0x80000047;
	[dreg:$0x7] =	wrdreg s1  }
0x9: {  	s22 =	sadd.s32 $0x41200, s0;
	s13 =	sadd.s32 $0x1200, s0;
	[dreg:$0x8] =	wrdreg s19  }
0xa: {  	s14 =	sadd.s32 $0xC5E00, s0;
	s25 =	sshll.u32 s7, $0x3;
	[dreg:$0x9] =	wrdreg s2  }
0xb: {  	v0 =	vimm.f32 $-3.000000010e+38;
	s4 =	sshll.u32 s7, $0xF;
	s17 =	sshll.u32 s7, $0xA;
	[dreg:$0xa] =	wrdreg s21  }
0xc: {  	s18 =	sshll.u32 s7, $0x12;
	s1 =	sand.u32 $0x1, s20;
	[dreg:$0xb] =	wrdreg s22;
	(xrf0) =	vmax.scan.msk.f32 $0xffff, v0  }
0xd: {  	v1 =	vimm.s32 $0x0;
	v2 =	vlaneseq.u32;
	s21 =	simm.s32 $0x3;
	s2 =	simm.s32 $0x20;
	s23 =	ssub.s32 $0x2, s1  }
.Ltmp0:
0xe: {  	v3 =	vor.u32 $0x10, v2;
	v4 =	vor.u32 $0x20, v2;
	v5 =	vor.u32 $0x30, v2;
	s3 =	sshll.u32 s1, $0x6;
	s1 =	sshll.u32 s1, $0x2;
	(pc) =	sbr.rel .LBB2_1-.Ltmp0, $4  }
0xf: {  	v6 =	vor.u32 $0x40, v2;
	v7 =	vor.u32 $0x50, v2;
	v8 =	vor.u32 $0x60, v2;
	s24 =	sshrl.u32 s23, $0x1;
	s3 =	sadd.s32 s5, s3;
	s15 =	sor.u32 s1, s25  }
0x10: {  	v9 =	vor.u32 $0x70, v2;
	v10 =	vor.u32 $0x80, v2;
	v11 =	vor.u32 $0x90, v2;
	s25 =	simm.s32 $0x80;
	s0 =	ssub.s32 s23, s24;
	s26 =	sadd.s32 s4, s3  }
0x11: {  	v12 =	vor.u32 $0xA0, v2;
	v13 =	vor.u32 $0xB0, v2;
	v14 =	vor.u32 $0xC0, v2;
	s3 =	simm.s32 $0x0;
	[dreg:$0xc] =	wrdreg s26;
	s0 =	smax.u32 s0, $0x1  }
0x12: {  	v16 =	vor.u32 $0xD0, v2;
	v17 =	vor.u32 $0xE0, v2;
	v18 =	vor.u32 $0xF0, v2;
	s26 =	simm.s32 $0x400;
	[dreg:$0xd] =	wrdreg s0;
	s0 =	simm.s32 $0x8400;
	v15, _, _ =	vpop (xrf0)  }
.LBB2_19:
0x13: {  	s3 =	rddreg [dreg:$0xe]  }
0x14: {  	s1 =	rddreg [dreg:$0xd];
	s3 =	sadd.s32 $0x1, s3  }
0x15: {  	p0 =	sne.s32 s3, s1  }
.Ltmp1:
0x16: {  	_ = 	snop;
	(pc) =	sbr.rel @!p0 .LBB2_20-.Ltmp1, $1  }
0x17: {  	_ =	sdelay $0x3  }
.LBB2_1:
0x18: {  	[dreg:$0xe] =	wrdreg s3  }
0x19: {  	s1 =	rddreg [dreg:$0x2];
	s7 =	simm.s32 $0xC900  }
0x1a: {  	[tilespmem:s7], [sflag:$0x3] =	stream.linear.gather [hbm4b:s1+s6], $0x80, $0x38;
	[tilespmem:$0xCB00] =	vst v63  }
0x1b: {  	_ =	swait.ge [sflag:s21], $0x80  }
0x1c: {  	[sflag:s21] =	ssyncset.done $0x0  }
0x1d: {  	[sflag:s21] =	ssyncadd.s32 $0xFFFFFF80  }
0x1e: {  	s12 =	simm.s32 $0xC980;
	s8 =	rddreg [dreg:$0x3]  }
0x1f: {  	[tilespmem:s12], [sflag:$0x3] =	stream.linear.gather [hbm4b:s8+s6], $0x80, $0x38;
	[tilespmem:$0xCB00] =	vst v63  }
0x20: {  	_ =	swait.ge [sflag:s21], $0x80  }
0x21: {  	[sflag:s21] =	ssyncset.done $0x0  }
0x22: {  	s20 =	simm.s32 $0xCA00;
	s19 =	rddreg [dreg:$0x9];
	[sflag:s21] =	ssyncadd.s32 $0xFFFFFF80  }
0x23: {  	[tilespmem:s20], [sflag:$0x3] =	stream.linear.gather [hbm4b:s19+s6], $0x80, $0x38;
	[tilespmem:$0xCB00] =	vst v63  }
0x24: {  	_ =	swait.ge [sflag:s21], $0x80  }
0x25: {  	[sflag:s21] =	ssyncset.done $0x0  }
0x26: {  	s23 =	simm.s32 $0xCA80;
	s22 =	rddreg [dreg:$0xa];
	[sflag:s21] =	ssyncadd.s32 $0xFFFFFF80  }
0x27: {  	[tilespmem:s23], [sflag:$0x3] =	stream.linear.gather [hbm4b:s22+s6], $0x80, $0x38;
	[tilespmem:$0xCB00] =	vst v63  }
0x28: {  	_ =	swait.ge [sflag:s21], $0x80  }
0x29: {  	[sflag:s21] =	ssyncset.done $0x0  }
0x2a: {  	s3 =	simm.s32 $0x0;
	s24 =	rddreg [dreg:$0xc];
	[sflag:s21] =	ssyncadd.s32 $0xFFFFFF80  }
0x2b: {  	[tilespmem:s6], [sflag:$0x2] =	stream.strided.gather [hbm4b:s24+s25], $0x8000, s26, s25, $0x38;
	[tilespmem:$0xCB00] =	vst v63  }
.LBB2_2:
0x2c: {  	s19 =	sadd.s32 s15, s3  }
0x2d: {  	s1 =	sshll.u32 s19, $0x7  }
0x2e: {  	s1 =	sand.u32 $0x380, s1  }
0x2f: {  	s4 =	sor.u32 s17, s1  }
0x30: {  	s5 =	rddreg [dreg:$0x8];
	s4 =	sshrl.u32 s4, $0x3  }
0x31: {  	s7 =	simm.s32 $0x4000;
	s5 =	sadd.s32 s5, s4  }
0x32: {  	[tilespmem:s29], [sflag:$0x3] =	stream.strided.gather [hbm4b:s5+s25], $0x400, s7, s25, $0x38;
	[tilespmem:$0xCB00] =	vst v63  }
0x33: {  	_ =	swait.ge [sflag:s21], $0x400  }
0x34: {  	s24 =	simm.s32 $0xC800;
	[sflag:s21] =	ssyncset.done $0x0;
	s23 =	rddreg [dreg:$0xb]  }
0x35: {  	[sflag:s21] =	ssyncadd.s32 $0xFFFFFC00;
	s5 =	sadd.s32 s23, s4;
	s4 =	simm.s32 $0x0  }
0x36: {  	[tilespmem:s24], [sflag:$0x3] =	stream.linear.gather [hbm4b:s5+s4], $0x80, $0x38;
	[tilespmem:$0xCB00] =	vst v63  }
0x37: {  	_ =	swait.ge [sflag:s21], $0x80  }
0x38: {  	[sflag:s21] =	ssyncset.done $0x0  }
0x39: {  	[sflag:s21] =	ssyncadd.s32 $0xFFFFFF80  }
0x3a: {  	v19 =	vld [tilespmem:$0x8000]  }
0x3b: {  	v20 =	vld [tilespmem:$0x8010]  }
0x3c: {  	v21 =	vld [tilespmem:$0x8080]  }
0x3d: {  	v22 =	vld [tilespmem:$0x8090]  }
0x3e: {  	v23 =	vld [tilespmem:$0x8100]  }
0x3f: {  	v25 =	vld [tilespmem:$0x8110];
	v24 =	vmax.f32 v19, $-3.000000010e+38  }
0x40: {  	v26 =	vld [tilespmem:$0x8180];
	v24 =	vmax.f32 v24, v20  }
0x41: {  	v27 =	vld [tilespmem:$0x8190];
	v24 =	vmax.f32 v24, v21  }
0x42: {  	v28 =	vld [tilespmem:$0x8200];
	v24 =	vmax.f32 v24, v22  }
0x43: {  	v29 =	vld [tilespmem:$0x8210];
	v24 =	vmax.f32 v24, v23  }
0x44: {  	v30 =	vld [tilespmem:$0x8280];
	v24 =	vmax.f32 v24, v25  }
0x45: {  	v31 =	vld [tilespmem:$0x8290];
	v24 =	vmax.f32 v24, v26  }
0x46: {  	v32 =	vld [tilespmem:$0x8300];
	v24 =	vmax.f32 v24, v27  }
0x47: {  	v33 =	vld [tilespmem:$0x8310];
	v24 =	vmax.f32 v24, v28  }
0x48: {  	v34 =	vld [tilespmem:$0x8380];
	v24 =	vmax.f32 v24, v29  }
0x49: {  	v35 =	vld [tilespmem:$0x8390];
	v24 =	vmax.f32 v24, v30  }
0x4a: {  	v24 =	vmax.f32 v24, v31  }
0x4b: {  	v24 =	vmax.f32 v24, v32  }
0x4c: {  	v24 =	vmax.f32 v24, v33  }
0x4d: {  	v24 =	vmax.f32 v24, v34  }
0x4e: {  	v24 =	vmax.f32 v24, v35  }
0x4f: {  	(xrf0) =	vmax.scan.msk.f32 $0xffff, v24;
	_ =	sdelay $0x5  }
0x50: {  	v24, _, _ =	vpop (xrf0)  }
0x51: {  	v24 =	vbroadcast v24, $0xF;
	_ =	sdelay $0x1  }
0x52: {  	vm0 =	veq.f32 v20, v24  }
0x53: {  	v20 =	vnsel vm0, $0xFFFFFFFF, v3  }
0x54: {  	vm0 =	vgt.s32 v20, v2  }
0x55: {  	vm1 =	veq.f32 v19, v24;
	vm2 =	veq.f32 v21, v24;
	v19 =	vsel vm0, v20, v2  }
0x56: {  	v19 =	vsel vm1, v19, v20;
	v20 =	vnsel vm2, $0xFFFFFFFF, v4  }
0x57: {  	vm15 =	veq.f32 v22, v24;
	vm1 =	vgt.s32 v19, v20  }
0x58: {  	v19 =	vsel vm1, v19, v20;
	v20 =	vnsel vm15, $0xFFFFFFFF, v5  }
0x59: {  	vm4 =	veq.f32 v23, v24;
	vm1 =	vgt.s32 v19, v20  }
0x5a: {  	v19 =	vsel vm1, v19, v20;
	v20 =	vnsel vm4, $0xFFFFFFFF, v6  }
0x5b: {  	vm5 =	veq.f32 v25, v24;
	vm1 =	vgt.s32 v19, v20  }
0x5c: {  	v19 =	vsel vm1, v19, v20;
	v20 =	vnsel vm5, $0xFFFFFFFF, v7  }
0x5d: {  	vm6 =	veq.f32 v26, v24;
	vm1 =	vgt.s32 v19, v20  }
0x5e: {  	v19 =	vsel vm1, v19, v20;
	v20 =	vnsel vm6, $0xFFFFFFFF, v8  }
0x5f: {  	vm7 =	veq.f32 v27, v24;
	vm1 =	vgt.s32 v19, v20  }
0x60: {  	v19 =	vsel vm1, v19, v20;
	v20 =	vnsel vm7, $0xFFFFFFFF, v9  }
0x61: {  	vm8 =	veq.f32 v28, v24;
	vm1 =	vgt.s32 v19, v20  }
0x62: {  	v19 =	vsel vm1, v19, v20;
	v20 =	vnsel vm8, $0xFFFFFFFF, v10  }
0x63: {  	vm9 =	veq.f32 v29, v24;
	vm1 =	vgt.s32 v19, v20  }
0x64: {  	v19 =	vsel vm1, v19, v20;
	v20 =	vnsel vm9, $0xFFFFFFFF, v11  }
0x65: {  	vm10 =	veq.f32 v30, v24;
	vm1 =	vgt.s32 v19, v20  }
0x66: {  	v19 =	vsel vm1, v19, v20;
	v20 =	vnsel vm10, $0xFFFFFFFF, v12  }
0x67: {  	vm11 =	veq.f32 v31, v24;
	vm1 =	vgt.s32 v19, v20  }
0x68: {  	v19 =	vsel vm1, v19, v20;
	v20 =	vnsel vm11, $0xFFFFFFFF, v13  }
0x69: {  	vm12 =	veq.f32 v32, v24;
	vm1 =	vgt.s32 v19, v20  }
0x6a: {  	v19 =	vsel vm1, v19, v20;
	v20 =	vnsel vm12, $0xFFFFFFFF, v14  }
0x6b: {  	vm13 =	veq.f32 v33, v24;
	vm1 =	vgt.s32 v19, v20  }
0x6c: {  	v19 =	vsel vm1, v19, v20;
	v20 =	vnsel vm13, $0xFFFFFFFF, v16  }
0x6d: {  	vm14 =	veq.f32 v34, v24;
	vm1 =	vgt.s32 v19, v20  }
0x6e: {  	v19 =	vsel vm1, v19, v20;
	v20 =	vnsel vm14, $0xFFFFFFFF, v17  }
0x6f: {  	vm15 =	veq.f32 v35, v24;
	vm1 =	vgt.s32 v19, v20  }
0x70: {  	v19 =	vsel vm1, v19, v20;
	v20 =	vnsel vm15, $0xFFFFFFFF, v18  }
0x71: {  	vm0 =	vgt.s32 v19, v20  }
0x72: {  	v19 =	vsel vm0, v19, v20  }
0x73: {  	v19 =	vxor.u32 $0x80000000, v19  }
0x74: {  	(xrf0) =	vmax.scan.msk.u32 $0xffff, v19;
	_ =	sdelay $0x5  }
0x75: {  	v19, _, _ =	vpop (xrf0)  }
0x76: {  	(v2sf) =	vpush v19, $0xF;
	_ =	sdelay $0xe  }
0x77: {  	s8 =	spop (v2sf)  }
0x78: {  	s20 =	sxor.u32 $0x80000000, s8  }
0x79: {  	s22 =	sshra.s32 s20, $0x1F  }
0x7a: {  	s22 =	sshrl.u32 s22, $0x1B  }
0x7b: {  	s22 =	sadd.s32 s22, s20  }
0x7c: {  	p1 =	sgt.s32 s8, $0xFFFFFFFF;
	p0 =	slt.s32 s20, $0x1;
	s23 =	sand.u32 $0xFFFFFFE0, s22  }
0x7d: {  	p0 =	por p1, p0;
	p6 =	sne.s32 s20, s23  }
0x7e: {  	p0 =	por !p0, !p6  }
0x7f: {  	s23 =	simm.s32 $0x1;
	p0 =	por !p0, !p0  }
0x80: {  	s22 =	sshrl.u32 s22, $0x5;
	s23 =	simm.s32 @!p0 $0x0  }
0x81: {  	s22 =	ssub.s32 s22, s23  }
0x82: {  	s12 =	sand.u32 $0x1F, s8;
	s22 =	sshll.u32 s22, $0x7  }
0x83: {  	s22 =	sor.u32 s12, s22  }
0x84: {  	v19 =	vmov s22  }
0x85: {  	[tilespmem:$0x8400] =	vst v1;
	v20 =	vmov s4  }
0x86: {  	[tilespmem:$0x8410] =	vst v1  }
0x87: {  	[tilespmem:$0x8480] =	vst v1;
	s4 =	sshll.u32 s19, $0x8  }
0x88: {  	[tilespmem:$0x8490] =	vst v1;
	s20 =	sadd.s32 s4, s20  }
0x89: {  	s24 =	sshll.u32 s8, $0x7;
	[tilespmem:v19+s29+$0x0] =	vst.idx.msk $0x1, v0;
	v19 =	vmov s20  }
0x8a: {  	s5 =	simm.s32 $0x1;
	v21 =	vmov s24;
	[tilespmem:v20+s0+$0x0] =	vst.idx.msk $0x1, v19  }
.LBB2_3:
0x8b: {  	p0 =	sne.s32 s5, $0x1E;
	[tilespmem:v20+s11+$0x0] =	vst.idx.msk $0x1, v21;
	s20 =	smov.u32 s5;
	s5 =	sadd.s32 $0x1, s5  }
0x8c: {  	v20 =	vld [tilespmem:$0x8000]  }
0x8d: {  	v21 =	vld [tilespmem:$0x8010]  }
0x8e: {  	v22 =	vld [tilespmem:$0x8080]  }
0x8f: {  	v23 =	vld [tilespmem:$0x8090]  }
0x90: {  	v24 =	vld [tilespmem:$0x8100]  }
0x91: {  	v19 =	vmax.f32 v20, $-3.000000010e+38;
	v25 =	vld [tilespmem:$0x8110]  }
0x92: {  	v19 =	vmax.f32 v19, v21;
	v26 =	vld [tilespmem:$0x8180]  }
0x93: {  	v19 =	vmax.f32 v19, v22;
	v27 =	vld [tilespmem:$0x8190]  }
0x94: {  	v19 =	vmax.f32 v19, v23;
	v28 =	vld [tilespmem:$0x8200]  }
0x95: {  	v19 =	vmax.f32 v19, v24;
	v29 =	vld [tilespmem:$0x8210]  }
0x96: {  	v19 =	vmax.f32 v19, v25;
	v30 =	vld [tilespmem:$0x8280]  }
0x97: {  	v19 =	vmax.f32 v19, v26;
	v31 =	vld [tilespmem:$0x8290]  }
0x98: {  	v19 =	vmax.f32 v19, v27;
	v32 =	vld [tilespmem:$0x8300]  }
0x99: {  	v19 =	vmax.f32 v19, v28;
	v33 =	vld [tilespmem:$0x8310]  }
0x9a: {  	v19 =	vmax.f32 v19, v29;
	v34 =	vld [tilespmem:$0x8380]  }
0x9b: {  	v19 =	vmax.f32 v19, v30;
	v35 =	vld [tilespmem:$0x8390]  }
0x9c: {  	v19 =	vmax.f32 v19, v31  }
0x9d: {  	v19 =	vmax.f32 v19, v32  }
0x9e: {  	v19 =	vmax.f32 v19, v33  }
0x9f: {  	v19 =	vmax.f32 v19, v34  }
0xa0: {  	v19 =	vmax.f32 v19, v35  }
0xa1: {  	(xrf0) =	vmax.scan.msk.f32 $0xffff, v19;
	_ =	sdelay $0x5  }
0xa2: {  	v19, _, _ =	vpop (xrf0)  }
0xa3: {  	v36 =	vbroadcast v19, $0xF;
	_ =	sdelay $0x1  }
0xa4: {  	vm0 =	veq.f32 v20, v36;
	vm1 =	veq.f32 v21, v36;
	vm2 =	veq.f32 v22, v36  }
0xa5: {  	vm10 =	veq.f32 v24, v36;
	v20 =	vnsel vm1, $0xFFFFFFFF, v3;
	vm1 =	veq.f32 v23, v36  }
0xa6: {  	vm11 =	veq.f32 v25, v36;
	vm9 =	veq.f32 v26, v36;
	vm3 =	vgt.s32 v20, v2  }
0xa7: {  	vm8 =	veq.f32 v27, v36;
	vm7 =	veq.f32 v28, v36;
	v21 =	vsel vm3, v20, v2  }
0xa8: {  	vm6 =	veq.f32 v29, v36;
	v20 =	vsel vm0, v21, v20;
	v21 =	vnsel vm2, $0xFFFFFFFF, v4  }
0xa9: {  	vm5 =	veq.f32 v30, v36;
	vm4 =	veq.f32 v31, v36;
	vm0 =	vgt.s32 v20, v21  }
0xaa: {  	vm3 =	veq.f32 v32, v36;
	v20 =	vsel vm0, v20, v21;
	v21 =	vnsel vm1, $0xFFFFFFFF, v5  }
0xab: {  	vm2 =	veq.f32 v33, v36;
	vm1 =	veq.f32 v34, v36;
	vm0 =	vgt.s32 v20, v21  }
0xac: {  	v20 =	vsel vm0, v20, v21;
	v21 =	vnsel vm10, $0xFFFFFFFF, v6;
	vm0 =	veq.f32 v35, v36  }
0xad: {  	vm10 =	vgt.s32 v20, v21  }
0xae: {  	v20 =	vsel vm10, v20, v21;
	v21 =	vnsel vm11, $0xFFFFFFFF, v7  }
0xaf: {  	vm10 =	vgt.s32 v20, v21  }
0xb0: {  	v20 =	vsel vm10, v20, v21;
	v21 =	vnsel vm9, $0xFFFFFFFF, v8  }
0xb1: {  	vm9 =	vgt.s32 v20, v21  }
0xb2: {  	v20 =	vsel vm9, v20, v21;
	v21 =	vnsel vm8, $0xFFFFFFFF, v9  }
0xb3: {  	vm8 =	vgt.s32 v20, v21  }
0xb4: {  	v20 =	vsel vm8, v20, v21;
	v21 =	vnsel vm7, $0xFFFFFFFF, v10  }
0xb5: {  	vm7 =	vgt.s32 v20, v21  }
0xb6: {  	v20 =	vsel vm7, v20, v21;
	v21 =	vnsel vm6, $0xFFFFFFFF, v11  }
0xb7: {  	vm6 =	vgt.s32 v20, v21  }
0xb8: {  	v20 =	vsel vm6, v20, v21;
	v21 =	vnsel vm5, $0xFFFFFFFF, v12  }
0xb9: {  	vm5 =	vgt.s32 v20, v21  }
0xba: {  	v20 =	vsel vm5, v20, v21;
	v21 =	vnsel vm4, $0xFFFFFFFF, v13  }
0xbb: {  	vm4 =	vgt.s32 v20, v21  }
0xbc: {  	v20 =	vsel vm4, v20, v21;
	v21 =	vnsel vm3, $0xFFFFFFFF, v14  }
0xbd: {  	vm3 =	vgt.s32 v20, v21  }
0xbe: {  	v20 =	vsel vm3, v20, v21;
	v21 =	vnsel vm2, $0xFFFFFFFF, v16  }
0xbf: {  	vm2 =	vgt.s32 v20, v21  }
0xc0: {  	v20 =	vsel vm2, v20, v21;
	v21 =	vnsel vm1, $0xFFFFFFFF, v17  }
0xc1: {  	vm1 =	vgt.s32 v20, v21  }
0xc2: {  	v20 =	vsel vm1, v20, v21;
	v21 =	vnsel vm0, $0xFFFFFFFF, v18  }
0xc3: {  	vm0 =	vgt.s32 v20, v21  }
0xc4: {  	v20 =	vsel vm0, v20, v21  }
0xc5: {  	v20 =	vxor.u32 $0x80000000, v20  }
0xc6: {  	(xrf0) =	vmax.scan.msk.u32 $0xffff, v20;
	_ =	sdelay $0x5  }
0xc7: {  	v20, _, _ =	vpop (xrf0)  }
0xc8: {  	(v2sf) =	vpush v20, $0xF;
	_ =	sdelay $0xe  }
0xc9: {  	s22 =	spop (v2sf)  }
0xca: {  	s23 =	sxor.u32 $0x80000000, s22;
	s24 =	sshll.u32 s22, $0x7  }
0xcb: {  	s7 =	sshra.s32 s23, $0x1F;
	p1 =	slt.s32 s23, $0x1;
	s8 =	sadd.s32 s4, s23  }
0xcc: {  	s7 =	sshrl.u32 s7, $0x1B  }
0xcd: {  	s7 =	sadd.s32 s7, s23  }
0xce: {  	p2 =	sgt.s32 s22, $0xFFFFFFFF;
	s12 =	sand.u32 $0xFFFFFFE0, s7  }
0xcf: {  	p1 =	por p2, p1;
	p2 =	sne.s32 s23, s12  }
0xd0: {  	p1 =	por !p1, !p2  }
0xd1: {  	s12 =	simm.s32 $0x1;
	p1 =	por !p1, !p1  }
0xd2: {  	s7 =	sshrl.u32 s7, $0x5;
	s12 =	simm.s32 @!p1 $0x0  }
0xd3: {  	s7 =	ssub.s32 s7, s12  }
0xd4: {  	s12 =	sand.u32 $0x1F, s22;
	s7 =	sshll.u32 s7, $0x7  }
0xd5: {  	s7 =	sor.u32 s12, s7  }
0xd6: {  	v21 =	vmov s7  }
0xd7: {  	v20 =	vmov s20  }
.Ltmp2:
0xd8: {  	(pc) =	sbr.rel @p0 .LBB2_3-.Ltmp2, $3  }
0xd9: {  	_ =	sdelay $0x1  }
0xda: {  	[tilespmem:v21+s29+$0x0] =	vst.idx.msk $0x1, v0;
	v21 =	vmov s8  }
0xdb: {  	[tilespmem:v20+s0+$0x0] =	vst.idx.msk $0x1, v21;
	v21 =	vmov s24  }
0xdc: {  	_ =	sdelay $0x3  }
0xdd: {  	[tilespmem:v20+s11+$0x0] =	vst.idx.msk $0x1, v21;
	s4 =	rddreg [dreg:$0x7];
	s5 =	simm.s32 $0x8500  }
0xde: {  	[tilespmem:s5], [sflag:$0x1] =	stream.indirect.gather [hbm4b:s4+s2], $0x80, s0, s2, $0xb8;
	[tilespmem:$0xCB00] =	vst v63  }
0xdf: {  	s23 =	simm.s32 $0x0;
	_ =	swait.ge [sflag:s31], $0x1000  }
0xe0: {  	v20 =	vmov s23;
	[sflag:s31] =	ssyncset.done $0x0  }
0xe1: {  	s24 =	simm.s32 $0x8540;
	[sflag:s31] =	ssyncadd.s32 $0xFFFFF000  }
0xe2: {  	v21 =	vld [tilespmem:s24+$0xFFFFFFC0]  }
0xe3: {  	v19 =	vadd.f32 $0.0e+00, v19;
	_ =	sdelay $0x1  }
0xe4: {  	v19 =	vbroadcast v19, $0xF;
	v20 =	vld.idx.msk [tilespmem:v20+s11+$0x0], $0xffff;
	_ =	sdelay $0x1  }
0xe5: {  	vm0 =	vge.f32 v21, v19  }
0xe6: {  	v22 =	vmpcnt.ones.xlane vm0;
	_ =	sdelay $0x1  }
0xe7: {  	[tilespmem:s23+$0x9500] =	vst.msk vm0, v21;
	v21 =	vadd.s32 v2, v20;
	(v2sf) =	vpush v22, $0x0  }
0xe8: {  	[tilespmem:s23+$0xA500] =	vst.msk vm0, v21  }
0xe9: {  	v21 =	vld [tilespmem:s24+$0xFFFFFFD0];
	_ =	sdelay $0x4  }
0xea: {  	vm0 =	vge.f32 v21, v19  }
0xeb: {  	v22 =	vmpcnt.ones.xlane vm0;
	_ =	sdelay $0x1  }
0xec: {  	(v2sf) =	vpush v22, $0x0;
	_ =	sdelay $0x4  }
0xed: {  	s7 =	spop (v2sf)  }
0xee: {  	s5 =	sadd.s32 $0x0, s7  }
0xef: {  	[tilespmem:s5+$0x9500] =	vst.msk vm0, v21;
	v21 =	vadd.s32 v3, v20  }
0xf0: {  	[tilespmem:s5+$0xA500] =	vst.msk vm0, v21  }
0xf1: {  	v21 =	vld [tilespmem:s24+$0xFFFFFFE0];
	_ =	sdelay $0x4  }
0xf2: {  	vm0 =	vge.f32 v21, v19  }
0xf3: {  	s7 =	spop (v2sf);
	v22 =	vmpcnt.ones.xlane vm0  }
0xf4: {  	s5 =	sadd.s32 s5, s7  }
0xf5: {  	[tilespmem:s5+$0x9500] =	vst.msk vm0, v21;
	v21 =	vadd.s32 v4, v20;
	(v2sf) =	vpush v22, $0x0  }
0xf6: {  	[tilespmem:s5+$0xA500] =	vst.msk vm0, v21  }
0xf7: {  	v21 =	vld [tilespmem:s24+$0xFFFFFFF0];
	_ =	sdelay $0x4  }
0xf8: {  	vm0 =	vge.f32 v21, v19  }
0xf9: {  	v22 =	vmpcnt.ones.xlane vm0;
	_ =	sdelay $0x1  }
0xfa: {  	(v2sf) =	vpush v22, $0x0;
	_ =	sdelay $0x4  }
0xfb: {  	s8 =	spop (v2sf)  }
0xfc: {  	s5 =	sadd.s32 s5, s8  }
0xfd: {  	[tilespmem:s5+$0x9500] =	vst.msk vm0, v21;
	v21 =	vadd.s32 v5, v20  }
0xfe: {  	[tilespmem:s5+$0xA500] =	vst.msk vm0, v21  }
0xff: {  	v21 =	vld [tilespmem:s24+$0x0];
	_ =	sdelay $0x4  }
0x100: {  	vm0 =	vge.f32 v21, v19  }
0x101: {  	s12 =	spop (v2sf);
	v22 =	vmpcnt.ones.xlane vm0  }
0x102: {  	s5 =	sadd.s32 s5, s12  }
0x103: {  	[tilespmem:s5+$0x9500] =	vst.msk vm0, v21;
	v21 =	vadd.s32 v6, v20;
	(v2sf) =	vpush v22, $0x0  }
0x104: {  	[tilespmem:s5+$0xA500] =	vst.msk vm0, v21  }
0x105: {  	v21 =	vld [tilespmem:s24+$0x10];
	_ =	sdelay $0x4  }
0x106: {  	vm0 =	vge.f32 v21, v19  }
0x107: {  	v22 =	vmpcnt.ones.xlane vm0;
	_ =	sdelay $0x1  }
0x108: {  	(v2sf) =	vpush v22, $0x0;
	_ =	sdelay $0x4  }
0x109: {  	s20 =	spop (v2sf)  }
0x10a: {  	s5 =	sadd.s32 s5, s20  }
0x10b: {  	[tilespmem:s5+$0x9500] =	vst.msk vm0, v21;
	v21 =	vadd.s32 v7, v20  }
0x10c: {  	[tilespmem:s5+$0xA500] =	vst.msk vm0, v21  }
0x10d: {  	v21 =	vld [tilespmem:s24+$0x20];
	_ =	sdelay $0x4  }
0x10e: {  	vm0 =	vge.f32 v21, v19  }
0x10f: {  	s22 =	spop (v2sf);
	v22 =	vmpcnt.ones.xlane vm0  }
0x110: {  	s5 =	sadd.s32 s5, s22  }
0x111: {  	[tilespmem:s5+$0x9500] =	vst.msk vm0, v21;
	v21 =	vadd.s32 v8, v20;
	(v2sf) =	vpush v22, $0x0  }
0x112: {  	[tilespmem:s5+$0xA500] =	vst.msk vm0, v21  }
0x113: {  	v21 =	vld [tilespmem:s24+$0x30];
	_ =	sdelay $0x4  }
0x114: {  	vm0 =	vge.f32 v21, v19  }
0x115: {  	v22 =	vmpcnt.ones.xlane vm0;
	_ =	sdelay $0x1  }
0x116: {  	(v2sf) =	vpush v22, $0x0;
	_ =	sdelay $0x4  }
0x117: {  	s23 =	spop (v2sf)  }
0x118: {  	s20 =	sadd.s32 s5, s23  }
0x119: {  	v20 =	vadd.s32 v9, v20;
	s24 =	simm.s32 $0x1;
	[tilespmem:s20+$0x9500] =	vst.msk vm0, v21  }
0x11a: {  	[tilespmem:s20+$0xA500] =	vst.msk vm0, v20;
	v20 =	vmov s24  }
0x11b: {  	s4 =	simm.s32 $0x85C0  }
0x11c: {  	v21 =	vld [tilespmem:s4+$0xFFFFFFC0];
	_ =	sdelay $0x2  }
0x11d: {  	v20 =	vld.idx.msk [tilespmem:v20+s11+$0x0], $0xffff;
	_ =	sdelay $0x1  }
0x11e: {  	s5 =	simm.s32 $0x2;
	s22 =	spop (v2sf);
	vm0 =	vge.f32 v21, v19  }
.LBB2_5:
0x11f: {  	p0 =	sne.s32 s5, $0x1E  }
0x120: {  	v22 =	vmpcnt.ones.xlane vm0;
	s7 =	sadd.s32 s20, s22;
	s20 =	smov.u32 s5;
	s5 =	sadd.s32 $0x1, s5  }
0x121: {  	[tilespmem:s7+$0x9500] =	vst.msk vm0, v21;
	v21 =	vadd.s32 v2, v20  }
0x122: {  	[tilespmem:s7+$0xA500] =	vst.msk vm0, v21;
	(v2sf) =	vpush v22, $0x0  }
0x123: {  	v21 =	vld [tilespmem:s4+$0xFFFFFFD0];
	_ =	sdelay $0x4  }
0x124: {  	vm0 =	vge.f32 v21, v19  }
0x125: {  	v22 =	vmpcnt.ones.xlane vm0;
	_ =	sdelay $0x1  }
0x126: {  	(v2sf) =	vpush v22, $0x0;
	_ =	sdelay $0x5  }
0x127: {  	s8 =	spop (v2sf)  }
0x128: {  	s7 =	sadd.s32 s7, s8  }
0x129: {  	[tilespmem:s7+$0x9500] =	vst.msk vm0, v21;
	v21 =	vadd.s32 v3, v20  }
0x12a: {  	[tilespmem:s7+$0xA500] =	vst.msk vm0, v21  }
0x12b: {  	v21 =	vld [tilespmem:s4+$0xFFFFFFE0];
	_ =	sdelay $0x4  }
0x12c: {  	vm0 =	vge.f32 v21, v19;
	s8 =	spop (v2sf)  }
0x12d: {  	s7 =	sadd.s32 s7, s8;
	v22 =	vmpcnt.ones.xlane vm0  }
0x12e: {  	[tilespmem:s7+$0x9500] =	vst.msk vm0, v21;
	v21 =	vadd.s32 v4, v20  }
0x12f: {  	[tilespmem:s7+$0xA500] =	vst.msk vm0, v21;
	(v2sf) =	vpush v22, $0x0  }
0x130: {  	v21 =	vld [tilespmem:s4+$0xFFFFFFF0];
	_ =	sdelay $0x4  }
0x131: {  	vm0 =	vge.f32 v21, v19  }
0x132: {  	v22 =	vmpcnt.ones.xlane vm0;
	_ =	sdelay $0x1  }
0x133: {  	(v2sf) =	vpush v22, $0x0;
	_ =	sdelay $0x5  }
0x134: {  	s8 =	spop (v2sf)  }
0x135: {  	s7 =	sadd.s32 s7, s8  }
0x136: {  	[tilespmem:s7+$0x9500] =	vst.msk vm0, v21;
	v21 =	vadd.s32 v5, v20  }
0x137: {  	[tilespmem:s7+$0xA500] =	vst.msk vm0, v21  }
0x138: {  	v21 =	vld [tilespmem:s4+$0x0];
	_ =	sdelay $0x4  }
0x139: {  	vm0 =	vge.f32 v21, v19;
	s8 =	spop (v2sf)  }
0x13a: {  	s7 =	sadd.s32 s7, s8;
	v22 =	vmpcnt.ones.xlane vm0  }
0x13b: {  	[tilespmem:s7+$0x9500] =	vst.msk vm0, v21;
	v21 =	vadd.s32 v6, v20  }
0x13c: {  	[tilespmem:s7+$0xA500] =	vst.msk vm0, v21;
	(v2sf) =	vpush v22, $0x0  }
0x13d: {  	v21 =	vld [tilespmem:s4+$0x10];
	_ =	sdelay $0x4  }
0x13e: {  	vm0 =	vge.f32 v21, v19  }
0x13f: {  	v22 =	vmpcnt.ones.xlane vm0;
	_ =	sdelay $0x1  }
0x140: {  	(v2sf) =	vpush v22, $0x0;
	_ =	sdelay $0x5  }
0x141: {  	s8 =	spop (v2sf)  }
0x142: {  	s7 =	sadd.s32 s7, s8  }
0x143: {  	[tilespmem:s7+$0x9500] =	vst.msk vm0, v21;
	v21 =	vadd.s32 v7, v20  }
0x144: {  	[tilespmem:s7+$0xA500] =	vst.msk vm0, v21  }
0x145: {  	v21 =	vld [tilespmem:s4+$0x20];
	_ =	sdelay $0x4  }
0x146: {  	vm0 =	vge.f32 v21, v19;
	s8 =	spop (v2sf)  }
0x147: {  	s7 =	sadd.s32 s7, s8;
	v22 =	vmpcnt.ones.xlane vm0  }
0x148: {  	[tilespmem:s7+$0x9500] =	vst.msk vm0, v21;
	v21 =	vadd.s32 v8, v20  }
0x149: {  	[tilespmem:s7+$0xA500] =	vst.msk vm0, v21;
	(v2sf) =	vpush v22, $0x0  }
0x14a: {  	v21 =	vld [tilespmem:s4+$0x30];
	_ =	sdelay $0x4  }
0x14b: {  	vm0 =	vge.f32 v21, v19  }
0x14c: {  	v22 =	vmpcnt.ones.xlane vm0;
	_ =	sdelay $0x1  }
0x14d: {  	(v2sf) =	vpush v22, $0x0;
	_ =	sdelay $0x5  }
0x14e: {  	v22 =	vmov s20;
	s8 =	spop (v2sf)  }
0x14f: {  	s20 =	sadd.s32 s7, s8  }
0x150: {  	v20 =	vadd.s32 v9, v20;
	[tilespmem:s20+$0x9500] =	vst.msk vm0, v21  }
0x151: {  	s4 =	sadd.s32 $0x80, s4;
	[tilespmem:s20+$0xA500] =	vst.msk vm0, v20  }
0x152: {  	v21 =	vld [tilespmem:s4+$0xFFFFFFC0]  }
.Ltmp3:
0x153: {  	v20 =	vld.idx.msk [tilespmem:v22+s11+$0x0], $0xffff;
	(pc) =	sbr.rel @p0 .LBB2_5-.Ltmp3, $2  }
0x154: {  	_ =	sdelay $0x2  }
0x155: {  	vm0 =	vge.f32 v21, v19;
	s22 =	spop (v2sf)  }
0x156: {  	s5 =	sadd.s32 s20, s22  }
0x157: {  	v22 =	vmpcnt.ones.xlane vm0;
	v51 =	vadd.s32 v2, v20;
	[tilespmem:s5+$0x9500] =	vst.msk vm0, v21  }
0x158: {  	[tilespmem:s5+$0xA500] =	vst.msk vm0, v51  }
0x159: {  	(v2sf) =	vpush v22, $0x0;
	v21 =	vld [tilespmem:s4+$0xFFFFFFD0];
	_ =	sdelay $0x4  }
0x15a: {  	vm9 =	vge.f32 v21, v19  }
0x15b: {  	v52 =	vmpcnt.ones.xlane vm9;
	_ =	sdelay $0x1  }
0x15c: {  	(v2sf) =	vpush v52, $0x0;
	_ =	sdelay $0x6  }
0x15d: {  	s7 =	spop (v2sf)  }
0x15e: {  	s5 =	sadd.s32 s5, s7  }
0x15f: {  	v53 =	vadd.s32 v3, v20;
	[tilespmem:s5+$0x9500] =	vst.msk vm9, v21  }
0x160: {  	[tilespmem:s5+$0xA500] =	vst.msk vm9, v53  }
0x161: {  	v21 =	vld [tilespmem:s4+$0xFFFFFFE0];
	_ =	sdelay $0x3  }
0x162: {  	s20 =	spop (v2sf)  }
0x163: {  	vm10 =	vge.f32 v21, v19;
	s5 =	sadd.s32 s5, s20  }
0x164: {  	v55 =	vadd.s32 v4, v20;
	v54 =	vmpcnt.ones.xlane vm10;
	[tilespmem:s5+$0x9500] =	vst.msk vm10, v21  }
0x165: {  	[tilespmem:s5+$0xA500] =	vst.msk vm10, v55  }
0x166: {  	(v2sf) =	vpush v54, $0x0;
	v21 =	vld [tilespmem:s4+$0xFFFFFFF0];
	_ =	sdelay $0x4  }
0x167: {  	vm11 =	vge.f32 v21, v19  }
0x168: {  	v56 =	vmpcnt.ones.xlane vm11;
	_ =	sdelay $0x1  }
0x169: {  	(v2sf) =	vpush v56, $0x0;
	_ =	sdelay $0x6  }
0x16a: {  	s22 =	spop (v2sf)  }
0x16b: {  	s5 =	sadd.s32 s5, s22  }
0x16c: {  	v57 =	vadd.s32 v5, v20;
	[tilespmem:s5+$0x9500] =	vst.msk vm11, v21  }
0x16d: {  	[tilespmem:s5+$0xA500] =	vst.msk vm11, v57  }
0x16e: {  	v21 =	vld [tilespmem:s4+$0x0];
	_ =	sdelay $0x3  }
0x16f: {  	s23 =	spop (v2sf)  }
0x170: {  	vm12 =	vge.f32 v21, v19;
	s5 =	sadd.s32 s5, s23  }
0x171: {  	v59 =	vadd.s32 v6, v20;
	v58 =	vmpcnt.ones.xlane vm12;
	[tilespmem:s5+$0x9500] =	vst.msk vm12, v21  }
0x172: {  	[tilespmem:s5+$0xA500] =	vst.msk vm12, v59  }
0x173: {  	(v2sf) =	vpush v58, $0x0;
	v21 =	vld [tilespmem:s4+$0x10];
	_ =	sdelay $0x4  }
0x174: {  	vm13 =	vge.f32 v21, v19  }
0x175: {  	v60 =	vmpcnt.ones.xlane vm13;
	_ =	sdelay $0x1  }
0x176: {  	(v2sf) =	vpush v60, $0x0;
	_ =	sdelay $0x6  }
0x177: {  	s24 =	spop (v2sf)  }
0x178: {  	s5 =	sadd.s32 s5, s24  }
0x179: {  	v61 =	vadd.s32 v7, v20;
	[tilespmem:s5+$0x9500] =	vst.msk vm13, v21  }
0x17a: {  	[tilespmem:s5+$0xA500] =	vst.msk vm13, v61  }
0x17b: {  	v21 =	vld [tilespmem:s4+$0x20];
	_ =	sdelay $0x3  }
0x17c: {  	s8 =	spop (v2sf)  }
0x17d: {  	vm14 =	vge.f32 v21, v19;
	s5 =	sadd.s32 s5, s8  }
0x17e: {  	v62 =	vadd.s32 v8, v20;
	[tilespmem:s5+$0x9500] =	vst.msk vm14, v21  }
0x17f: {  	[tilespmem:s5+$0xA500] =	vst.msk vm14, v62  }
0x180: {  	v21 =	vld [tilespmem:s4+$0x30];
	_ =	sdelay $0x4  }
0x181: {  	v63 =	vmpcnt.ones.xlane vm14;
	vm15 =	vge.f32 v21, v19  }
0x182: {  	v19 =	vmpcnt.ones.xlane vm15  }
0x183: {  	(v2sf) =	vpush v63, $0x0  }
0x184: {  	(v2sf) =	vpush v19, $0x0;
	_ =	sdelay $0xd  }
0x185: {  	s12 =	spop (v2sf)  }
0x186: {  	s4 =	sadd.s32 s5, s12;
	s20 =	spop (v2sf)  }
0x187: {  	s5 =	sadd.s32 s4, s20  }
0x188: {  	s22 =	sadd.s32 $0xF, s5  }
0x189: {  	s8 =	sand.u32 $0xF, s22  }
0x18a: {  	v19 =	vadd.s32 v9, v20;
	[tilespmem:s4+$0x9500] =	vst.msk vm15, v21;
	s23 =	sshra.s32 s22, $0x1F;
	p1 =	slt.s32 s22, $0x1;
	p0 =	sne.s32 s8, $0x0  }
.Ltmp4:
0x18b: {  	[tilespmem:s4+$0xA500] =	vst.msk vm15, v19;
	s24 =	sshrl.u32 s23, $0x1C;
	p0 =	por !p1, !p0;
	(pc) =	sbr.rel .LBB2_7-.Ltmp4, $4  }
0x18c: {  	s7 =	simm.s32 $0x1;
	[tilespmem:s5+$0x9500] =	vst v0;
	s4 =	sadd.s32 s24, s22;
	p0 =	por !p0, !p0  }
0x18d: {  	[tilespmem:s5+$0xA500] =	vst v1;
	s4 =	sshra.s32 s4, $0x4;
	s7 =	simm.s32 @!p0 $0x0  }
0x18e: {  	[tilespmem:$0xB500] =	vst v1;
	s4 =	ssub.s32 s4, s7  }
0x18f: {  	s5 =	simm.s32 $0x0;
	[tilespmem:$0xB510] =	vst v1;
	p0 =	slt.s32 s4, $0x1  }
.LBB2_8:
0x190: {  	v20 =	vimm.s32 $0x7FFFFFFF;
	v19 =	vmov v15;
	v21 =	vimm.s32 $0x7FFFFFFF  }
.LBB2_14:
0x191: {  	(xrf0) =	vmax.scan.msk.u32 $0xffff, v20;
	_ =	sdelay $0x4  }
0x192: {  	(xrf0) =	vmax.scan.msk.u32 $0xffff, v21  }
0x193: {  	v20, _, _ =	vpop (xrf0)  }
0x194: {  	(v2sf) =	vpush v20, $0xF;
	_ =	sdelay $0x3  }
0x195: {  	v20, _, _ =	vpop (xrf0)  }
0x196: {  	(v2sf) =	vpush v20, $0xF;
	_ =	sdelay $0x9  }
0x197: {  	s7 =	spop (v2sf)  }
0x198: {  	s7 =	sxor.u32 $0x80000000, s7  }
0x199: {  	v20 =	vmov s7  }
0x19a: {  	v63 =	vmov s5;
	s5 =	sadd.s32 $0x1, s5  }
0x19b: {  	p1 =	sne.s32 s5, $0x1F  }
.Ltmp5:
0x19c: {  	v19 =	vadd.f32 $0.0e+00, v19;
	s24 =	spop (v2sf);
	(pc) =	sbr.rel @!p1 .LBB2_15-.Ltmp5, $4  }
0x19d: {  	s7 =	sxor.u32 $0x80000000, s24  }
0x19e: {  	v19 =	vbroadcast v19, $0xF;
	[tilespmem:v20+s9+$0x0] =	vst.idx.msk $0x1, v0;
	v20 =	vmov s7  }
0x19f: {  	[tilespmem:v63+s10+$0x0] =	vst.idx.msk $0x1, v20  }
0x1a0: {  	[tilespmem:v63+s16+$0x0] =	vst.idx.msk $0x1, v19  }
.LBB2_7:
.Ltmp6:
0x1a1: {  	(pc) =	sbr.rel @p0 .LBB2_8-.Ltmp6, $1  }
0x1a2: {  	_ =	sdelay $0x3  }
0x1a3: {  	p1 =	sne.s32 s4, $0x1  }
.Ltmp7:
0x1a4: {  	_ = 	snop;
	(pc) =	sbr.rel @!p1 .LBB2_11-.Ltmp7, $3  }
0x1a5: {  	_ =	sdelay $0x1  }
0x1a6: {  	s20 =	simm.s32 $0x9500  }
0x1a7: {  	v19 =	vimm.f32 $-3.000000010e+38;
	s22 =	sadd.s32 $0xFFFFFFFF, s4;
	s23 =	simm.s32 $0x9500;
	v20 =	vld [tilespmem:s20+$0x0]  }
.LBB2_10:
0x1a8: {  	p2 =	sne.s32 s22, $0x1  }
.Ltmp8:
0x1a9: {  	_ = 	snop;
	(pc) =	sbr.rel @p2 .LBB2_10-.Ltmp8, $3  }
0x1aa: {  	_ =	sdelay $0x1  }
0x1ab: {  	s22 =	sadd.s32 $0xFFFFFFFF, s22;
	s23 =	sadd.s32 $0x10, s23;
	v19 =	vmax.f32 v19, v20  }
0x1ac: {  	v20 =	vld [tilespmem:s23+$0x0]  }
.LBB2_11:
0x1ad: {  	_ =	sdelay $0x3  }
0x1ae: {  	v19 =	vmax.f32 v19, v20  }
0x1af: {  	(xrf0) =	vmax.scan.msk.f32 $0xffff, v19;
	_ =	sdelay $0x3  }
0x1b0: {  	v22 =	vld [tilespmem:s20+$0x0];
	s20 =	simm.s32 $0xA500  }
.Ltmp9:
0x1b1: {  	v23 =	vld [tilespmem:s20+$0x0];
	(pc) =	sbr.rel @!p1 .LBB2_13-.Ltmp9, $4  }
0x1b2: {  	v19, _, _ =	vpop (xrf0)  }
0x1b3: {  	s22 =	simm.s32 $0x0;
	v21 =	vbroadcast v19, $0xF  }
0x1b4: {  	v24 =	vor.u32 s22, v2  }
0x1b5: {  	s23 =	sadd.s32 $0xFFFFFFFF, s4;
	s24 =	simm.s32 $0x9510;
	v20 =	vimm.s32 $0xFFFFFFFF;
	vm0 =	veq.f32 v22, v21;
	v22 =	vimm.s32 $0xFFFFFFFF  }
.LBB2_12:
0x1b6: {  	v25 =	vld [tilespmem:s24+$0x0];
	p1 =	sne.s32 s23, $0x1;
	s23 =	sadd.s32 $0xFFFFFFFF, s23;
	v24 =	vnsel vm0, $0xFFFFFFFF, v24;
	v26 =	vnsel vm0, $0xFFFFFFFF, v23;
	s20 =	sadd.s32 $0x10, s20  }
.Ltmp10:
0x1b7: {  	v23 =	vld [tilespmem:s20+$0x0];
	vm0 =	vgt.s32 v20, v24;
	vm1 =	vgt.s32 v22, v26;
	(pc) =	sbr.rel @p1 .LBB2_12-.Ltmp10, $3  }
0x1b8: {  	v20 =	vsel vm0, v20, v24;
	v22 =	vsel vm1, v22, v26;
	_ =	sdelay $0x1  }
0x1b9: {  	s22 =	sadd.s32 $0x10, s22  }
0x1ba: {  	s24 =	sadd.s32 $0x10, s24;
	v24 =	vor.u32 s22, v2;
	vm0 =	veq.f32 v25, v21  }
.LBB2_13:
.Ltmp11:
0x1bb: {  	(pc) =	sbr.rel .LBB2_14-.Ltmp11, $4  }
0x1bc: {  	v21 =	vnsel vm0, $0xFFFFFFFF, v24;
	v23 =	vnsel vm0, $0xFFFFFFFF, v23  }
0x1bd: {  	vm15 =	vgt.s32 v20, v21;
	vm1 =	vgt.s32 v22, v23  }
0x1be: {  	v20 =	vsel vm15, v20, v21;
	v21 =	vsel vm1, v22, v23  }
0x1bf: {  	v20 =	vxor.u32 $0x80000000, v20;
	v21 =	vxor.u32 $0x80000000, v21  }
.LBB2_15:
0x1c0: {  	v20 =	vld [tilespmem:$0xB500];
	_ =	sdelay $0x1  }
0x1c1: {  	v19 =	vld [tilespmem:$0xB510];
	_ =	sdelay $0x2  }
0x1c2: {  	s4 =	sshll.u32 s19, $0xF;
	v21 =	vand.u32 $0x1, v20  }
0x1c3: {  	v22 =	vadd.s32 s4, v20;
	vm0 =	vlt.s32 v20, $0x1;
	v23 =	vshrl.u32 v20, $0x1F  }
0x1c4: {  	v25 =	vand.u32 $0x1, v19;
	v26 =	vshrl.u32 v19, $0x1F;
	vm1 =	veq.s32 v21, $0x1  }
0x1c5: {  	v21 =	vadd.s32 s4, v19;
	v23 =	vadd.s32 v23, v20;
	vm0 =	vmand vm0, vm1  }
0x1c6: {  	vm1 =	veq.s32 v25, $0x1;
	v24 =	vsel vm0, $0xFFFFFFFF, v1;
	vm0 =	vlt.s32 v19, $0x1  }
0x1c7: {  	[tilespmem:$0xB600] =	vst v22;
	v22 =	vshra.s32 v23, $0x1;
	v23 =	vadd.s32 v26, v19;
	vm0 =	vmand vm0, vm1  }
0x1c8: {  	[tilespmem:$0xB610] =	vst v21;
	v21 =	vadd.s32 v24, v22;
	v22 =	vshra.s32 v23, $0x1;
	v23 =	vsel vm0, $0xFFFFFFFF, v1  }
0x1c9: {  	[tilespmem:$0xB680] =	vst v21;
	v21 =	vadd.s32 v23, v22  }
0x1ca: {  	s24 =	simm.s32 $0xB600;
	s5 =	simm.s32 $0xB700;
	[tilespmem:$0xB690] =	vst v21  }
0x1cb: {  	[tilespmem:s5], [sflag:$0x1] =	stream.indirect.gather [hbm4b:s14+s2], $0x1, s24, s2, $0xb8;
	[tilespmem:$0xCB00] =	vst v63  }
0x1cc: {  	s7 =	rddreg [dreg:$0x4];
	s8 =	simm.s32 $0xB780  }
0x1cd: {  	[tilespmem:s8], [sflag:$0x1] =	stream.indirect.gather [hbm4b:s7+s2], $0x1, s10, s2, $0xb8;
	[tilespmem:$0xCB00] =	vst v63  }
0x1ce: {  	s12 =	simm.s32 $0xB800;
	s20 =	simm.s32 $0xB680  }
0x1cf: {  	[tilespmem:s12], [sflag:$0x1] =	stream.indirect.gather [hbm4b:s13+s2], $0x80, s20, s2, $0xb8;
	[tilespmem:$0xCB00] =	vst v63  }
0x1d0: {  	_ =	swait.ge [sflag:s28], $0x8000  }
0x1d1: {  	[sflag:s28] =	ssyncset.done $0x0  }
0x1d2: {  	s22 =	simm.s32 $0x0;
	[sflag:s28] =	ssyncadd.s32 $0xFFFF8000  }
0x1d3: {  	v22 =	vld.idx.msk [tilespmem:v20+s22+$0x0], $0xffff  }
0x1d4: {  	v21 =	vld.idx.msk [tilespmem:v19+s22+$0x0], $0xffff;
	_ =	swait.ge [sflag:s31], $0x20  }
0x1d5: {  	[sflag:s31] =	ssyncset.done $0x0  }
0x1d6: {  	[sflag:s31] =	ssyncadd.s32 $0xFFFFFFE0  }
0x1d7: {  	_ =	swait.ge [sflag:s31], $0x20  }
0x1d8: {  	v24 =	vmov s19;
	[sflag:s31] =	ssyncset.done $0x0  }
0x1d9: {  	[sflag:s31] =	ssyncadd.s32 $0xFFFFFFE0  }
0x1da: {  	_ =	swait.ge [sflag:s31], $0x1000  }
0x1db: {  	[sflag:s31] =	ssyncset.done $0x0  }
0x1dc: {  	s23 =	simm.s32 $0xC900;
	[sflag:s31] =	ssyncadd.s32 $0xFFFFF000  }
0x1dd: {  	v26 =	vld.idx.msk [tilespmem:v24+s23+$0x0], $0xffff;
	_ =	sdelay $0x2  }
0x1de: {  	v23 =	vadd.f32 v22, v22  }
0x1df: {  	v34 =	vimm.f32 $0.0e+00;
	v25 =	vadd.f32 v21, v21  }
0x1e0: {  	v30 =	vmov s22;
	v28 =	vsub.f32 $1.000000000e+00, v23;
	vm0 =	vgt.s32 v26, v2  }
0x1e1: {  	s24 =	simm.s32 $0xC980;
	v29 =	vsub.f32 $1.000000000e+00, v25;
	vm1 =	vgt.s32 v26, v3;
	v25 =	vsel vm0, $0x3F800000, v34  }
0x1e2: {  	s5 =	simm.s32 $0xCA00;
	v23 =	vld.idx.msk [tilespmem:v24+s24+$0x0], $0xffff;
	v26 =	vsel vm1, $0x3F800000, v34;
	v32 =	vmul.f32 v25, v28  }
0x1e3: {  	s7 =	simm.s32 $0xCA80;
	v27 =	vld.idx.msk [tilespmem:v24+s5+$0x0], $0xffff;
	v33 =	vmul.f32 v26, v29  }
0x1e4: {  	v24 =	vld.idx.msk [tilespmem:v24+s7+$0x0], $0xffff;
	[tilespmem:$0xC880] =	vst v32  }
0x1e5: {  	s8 =	simm.s32 $0x1;
	[tilespmem:$0xC890] =	vst v33  }
0x1e6: {  	v46 =	vmov s8;
	v28 =	vld.idx.msk [tilespmem:v30+s10+$0x0], $0xffff;
	_ =	sdelay $0x4  }
0x1e7: {  	(v2sf) =	vpush v28, $0x0;
	v28 =	vld.idx.msk [tilespmem:v46+s10+$0x0], $0xffff;
	_ =	sdelay $0x4  }
0x1e8: {  	(v2sf) =	vpush v28, $0x0;
	_ =	sdelay $0x1  }
0x1e9: {  	s12 =	simm.s32 $0x2  }
0x1ea: {  	v40 =	vmov s12  }
0x1eb: {  	s20 =	simm.s32 $0x3  }
0x1ec: {  	v36 =	vmov s20;
	_ =	sdelay $0x2  }
0x1ed: {  	v35 =	vld.idx.msk [tilespmem:v40+s10+$0x0], $0xffff;
	_ =	sdelay $0x1  }
0x1ee: {  	v39 =	vld.idx.msk [tilespmem:v36+s10+$0x0], $0xffff;
	_ =	sdelay $0x2  }
0x1ef: {  	s22 =	spop (v2sf);
	(v2sf) =	vpush v35, $0x0  }
0x1f0: {  	v31 =	vld [tilespmem:$0xB710]  }
0x1f1: {  	s23 =	simm.s32 $0x4;
	v29 =	vld [tilespmem:$0xB590];
	s4 =	sand.u32 $0x1, s22;
	s7 =	spop (v2sf);
	(v2sf) =	vpush v39, $0x0  }
0x1f2: {  	v37 =	vmov s23;
	v38 =	vld.idx.msk [tilespmem:v30+s30+$0x0], $0xffff;
	s4 =	sshll.u32 s4, $0x6  }
0x1f3: {  	v30 =	vld [tilespmem:$0xB700];
	s4 =	sadd.s32 $0xB800, s4  }
0x1f4: {  	v41 =	vld [tilespmem:s4+$0x30]  }
0x1f5: {  	v45 =	vld [tilespmem:s4+$0x0]  }
0x1f6: {  	v42 =	vld [tilespmem:s4+$0x10]  }
0x1f7: {  	s24 =	simm.s32 $0x5;
	v48 =	vld.idx.msk [tilespmem:v37+s10+$0x0], $0xffff  }
0x1f8: {  	v43 =	vimm.f32 $0.0e+00;
	v35 =	vmov s24;
	v44 =	vld [tilespmem:s4+$0x20];
	s7 =	sand.u32 $0x1, s7  }
0x1f9: {  	s5 =	simm.s32 $0x6;
	v28 =	vld [tilespmem:$0xB580];
	s4 =	simm.s32 $0xB880;
	v39 =	vimm.f32 $0.0e+00;
	s20 =	sshll.u32 s7, $0x6;
	v47 =	vmul.f32 v41, v38;
	v41 =	vimm.f32 $0.0e+00  }
.LBB2_16:
0x1fa: {  	p0 =	sne.s32 s5, $0x1E;
	v49 =	vld.idx.msk [tilespmem:v46+s30+$0x0], $0xffff;
	s7 =	sadd.s32 s20, s4;
	v50 =	vmul.f32 v45, v38;
	v46 =	vmovc v40;
	v40 =	vmovc v36;
	v36 =	vmov v37;
	v37 =	vmov v35  }
0x1fb: {  	v51 =	vld [tilespmem:s7+$0x30];
	v52 =	vmul.f32 v42, v38;
	v34 =	vadd.f32 v47, v34  }
.Ltmp12:
0x1fc: {  	v45 =	vld [tilespmem:s7+$0x0];
	v43 =	vadd.f32 v50, v43;
	(pc) =	sbr.rel @p0 .LBB2_16-.Ltmp12, $4  }
0x1fd: {  	(v2sf) =	vpush v48, $0x0;
	v42 =	vld [tilespmem:s7+$0x10];
	v41 =	vadd.f32 v52, v41;
	v50 =	vmul.f32 v44, v38  }
0x1fe: {  	v48 =	vld.idx.msk [tilespmem:v35+s10+$0x0], $0xffff;
	s8 =	spop (v2sf)  }
0x1ff: {  	s8 =	sand.u32 $0x1, s8;
	v44 =	vld [tilespmem:s7+$0x20];
	v39 =	vadd.f32 v50, v39  }
0x200: {  	s4 =	sadd.s32 $0x80, s4;
	v35 =	vmov s5;
	s5 =	sadd.s32 $0x1, s5;
	v38 =	vmov v49;
	s20 =	sshll.u32 s8, $0x6;
	v47 =	vmul.f32 v51, v49  }
0x201: {  	_ =	sdelay $0x3  }
0x202: {  	v62 =	vld.idx.msk [tilespmem:v35+s10+$0x0], $0xffff;
	_ =	sdelay $0x1  }
0x203: {  	v46 =	vld.idx.msk [tilespmem:v46+s30+$0x0], $0xffff  }
0x204: {  	v40 =	vld.idx.msk [tilespmem:v40+s30+$0x0], $0xffff;
	(v2sf) =	vpush v48, $0x0  }
0x205: {  	v36 =	vld.idx.msk [tilespmem:v36+s30+$0x0], $0xffff  }
0x206: {  	v37 =	vld.idx.msk [tilespmem:v37+s30+$0x0], $0xffff;
	(v2sf) =	vpush v62, $0x0  }
0x207: {  	s5 =	sadd.s32 s20, s4;
	v35 =	vld.idx.msk [tilespmem:v35+s30+$0x0], $0xffff  }
0x208: {  	s7 =	spop (v2sf);
	v49 =	vld [tilespmem:s5+$0x30]  }
0x209: {  	v50 =	vld [tilespmem:s5+$0x0];
	s7 =	sand.u32 $0x1, s7  }
0x20a: {  	s8 =	sadd.s32 $0x80, s4;
	v51 =	vld [tilespmem:s5+$0x20];
	s7 =	sshll.u32 s7, $0x6  }
0x20b: {  	v48 =	vld [tilespmem:s5+$0x10];
	s5 =	sadd.s32 s7, s8  }
0x20c: {  	v53 =	vld [tilespmem:s5+$0x0];
	s12 =	spop (v2sf)  }
0x20d: {  	v45 =	vmul.f32 v45, v38;
	v52 =	vld [tilespmem:s5+$0x30];
	s7 =	sand.u32 $0x1, s12  }
0x20e: {  	s4 =	sadd.s32 $0x80, s8;
	v42 =	vmul.f32 v42, v38;
	v63 =	vmul.f32 v44, v38;
	v54 =	vld [tilespmem:s5+$0x10];
	s20 =	sshll.u32 s7, $0x6  }
0x20f: {  	v43 =	vadd.f32 v45, v43;
	v55 =	vld [tilespmem:s5+$0x20];
	v61 =	vmul.f32 v49, v46;
	v62 =	vmul.f32 v50, v46;
	s5 =	sadd.s32 s20, s4  }
0x210: {  	v38 =	vadd.f32 v63, v39;
	v63 =	vmul.f32 v48, v46;
	v46 =	vmul.f32 v51, v46;
	v56 =	vld [tilespmem:s5+$0x30]  }
0x211: {  	v41 =	vadd.f32 v42, v41;
	v51 =	vadd.f32 v62, v43;
	v53 =	vmul.f32 v53, v40;
	v57 =	vld [tilespmem:s5+$0x0]  }
0x212: {  	v38 =	vadd.f32 v46, v38;
	v46 =	vld [tilespmem:$0xB780]  }
0x213: {  	v39 =	vadd.f32 v63, v41;
	v41 =	vadd.f32 v53, v51;
	v53 =	vld [tilespmem:$0xC800];
	s22 =	spop (v2sf)  }
0x214: {  	v52 =	vmul.f32 v52, v40;
	v58 =	vld [tilespmem:s5+$0x10];
	s7 =	sand.u32 $0x1, s22  }
0x215: {  	v54 =	vmul.f32 v54, v40;
	v40 =	vmul.f32 v55, v40;
	s4 =	sadd.s32 $0x80, s4;
	v59 =	vld [tilespmem:s5+$0x20];
	s23 =	sshll.u32 s7, $0x6;
	s24 =	spop (v2sf)  }
0x216: {  	v34 =	vadd.f32 v47, v34;
	s5 =	sadd.s32 s23, s4;
	v55 =	vmul.f32 v56, v36;
	v56 =	vmul.f32 v57, v36;
	v57 =	vld [tilespmem:$0xB790];
	s7 =	sand.u32 $0x1, s24  }
0x217: {  	s4 =	sadd.s32 $0x80, s4;
	v44 =	vld [tilespmem:s5+$0x0];
	s8 =	sshll.u32 s7, $0x6  }
0x218: {  	v34 =	vadd.f32 v61, v34;
	v47 =	vld [tilespmem:s5+$0x10];
	s4 =	sadd.s32 s8, s4  }
0x219: {  	v45 =	vld [tilespmem:s4+$0x0]  }
0x21a: {  	v34 =	vadd.f32 v52, v34;
	v48 =	vld [tilespmem:s5+$0x20]  }
0x21b: {  	v39 =	vadd.f32 v54, v39;
	v38 =	vadd.f32 v40, v38;
	v58 =	vmul.f32 v58, v36;
	v61 =	vld [tilespmem:s4+$0x10]  }
0x21c: {  	v32 =	vmul.f32 v46, v32;
	v60 =	vld [tilespmem:s5+$0x30];
	v41 =	vadd.f32 v56, v41;
	v62 =	vmul.f32 v44, v37  }
0x21d: {  	v36 =	vmul.f32 v59, v36;
	v34 =	vadd.f32 v55, v34;
	v39 =	vadd.f32 v58, v39;
	v63 =	vld [tilespmem:s4+$0x20]  }
0x21e: {  	v55 =	vld [tilespmem:$0xC810];
	v52 =	vmul.f32 v47, v37;
	v41 =	vadd.f32 v62, v41;
	v45 =	vmul.f32 v45, v35  }
0x21f: {  	v36 =	vadd.f32 v36, v38;
	v54 =	vld [tilespmem:s4+$0x30];
	v33 =	vmul.f32 v57, v33;
	v48 =	vmul.f32 v48, v37  }
0x220: {  	v39 =	vadd.f32 v52, v39;
	v56 =	vmul.f32 v61, v35;
	v41 =	vadd.f32 v45, v41  }
0x221: {  	v57 =	vld [tilespmem:$0xC820];
	v37 =	vmul.f32 v60, v37;
	v32 =	vadd.f32 v33, v32;
	v36 =	vadd.f32 v48, v36  }
0x222: {  	v58 =	vmul.f32 v63, v35;
	v39 =	vadd.f32 v56, v39;
	v59 =	vmul.f32 v53, v41  }
0x223: {  	v34 =	vadd.f32 v37, v34;
	(xrf2) =	vadd.scan.msk.f32 $0xffff, v32;
	v61 =	vld [tilespmem:$0xC830];
	v60 =	vmul.f32 v41, v41  }
0x224: {  	v35 =	vmul.f32 v54, v35;
	v36 =	vadd.f32 v58, v36;
	v38 =	vmul.f32 v55, v39;
	(xrf2) =	vadd.scan.msk.f32 $0xffff, v59  }
0x225: {  	v62 =	vmul.f32 v39, v39;
	(xrf2) =	vadd.scan.msk.f32 $0xffff, v60  }
0x226: {  	v28 =	vsub.f32 v28, v30;
	v34 =	vadd.f32 v35, v34;
	v33 =	vmul.f32 v57, v36;
	(xrf2) =	vadd.scan.msk.f32 $0xffff, v38  }
0x227: {  	v29 =	vsub.f32 v29, v31;
	v63 =	vmul.f32 v36, v36;
	(xrf2) =	vadd.scan.msk.f32 $0xffff, v62  }
0x228: {  	v30 =	vmul.f32 v28, v25;
	v36 =	vmul.f32 v61, v34;
	(xrf2) =	vadd.scan.msk.f32 $0xffff, v33  }
0x229: {  	v31 =	vmul.f32 v29, v26;
	v37 =	vmul.f32 v34, v34;
	(xrf2) =	vadd.scan.msk.f32 $0xffff, v63  }
0x22a: {  	(xrf2) =	vadd.scan.msk.f32 $0xffff, v36  }
0x22b: {  	v30 =	vadd.f32 v31, v30;
	(xrf2) =	vadd.scan.msk.f32 $0xffff, v37;
	_ =	sdelay $0x1  }
0x22c: {  	v38, _, _ =	vpop (xrf2);
	(xrf2) =	vadd.scan.msk.f32 $0xffff, v30  }
0x22d: {  	(v2sf) =	vpush v38, $0xF;
	v39, _, _ =	vpop (xrf2)  }
0x22e: {  	v40, _, _ =	vpop (xrf2);
	(v2sf) =	vpush v39, $0xF  }
0x22f: {  	(v2sf) =	vpush v40, $0xF;
	v41, _, _ =	vpop (xrf2)  }
0x230: {  	v42, _, _ =	vpop (xrf2);
	(v2sf) =	vpush v41, $0xF  }
0x231: {  	v43, _, _ =	vpop (xrf2);
	(v2sf) =	vpush v42, $0xF  }
0x232: {  	v44, _, _ =	vpop (xrf2);
	(v2sf) =	vpush v43, $0xF  }
0x233: {  	v45, _, _ =	vpop (xrf2);
	(v2sf) =	vpush v44, $0xF  }
0x234: {  	v46, _, _ =	vpop (xrf2);
	(v2sf) =	vpush v45, $0xF  }
0x235: {  	v47 =	vsub.f32 $0.0e+00, v28;
	(v2sf) =	vpush v46, $0xF  }
0x236: {  	v48 =	vsub.f32 $0.0e+00, v29;
	v49, _, _ =	vpop (xrf2)  }
0x237: {  	v30 =	vsub.f32 v47, v27;
	(v2sf) =	vpush v49, $0xF  }
0x238: {  	v28 =	vsub.f32 v28, v27  }
0x239: {  	v31 =	vsub.f32 v48, v27;
	v30 =	vmul.f32 $1.442695020e+00, v30  }
0x23a: {  	v50 =	vsub.f32 v29, v27;
	v28 =	vmul.f32 $1.442695020e+00, v28  }
0x23b: {  	v51 =	vmul.f32 $1.442695020e+00, v31;
	(erf) = vpow2.f32 v30  }
0x23c: {  	v27 =	vmul.f32 $1.442695020e+00, v50;
	(erf) = vpow2.f32 v28;
	s4 =	spop (v2sf)  }
0x23d: {  	(erf) = vpow2.f32 v51;
	s12 =	spop (v2sf)  }
0x23e: {  	(erf) = vpow2.f32 v27;
	s20 =	spop (v2sf);
	s5 =	sadd.f32 $0.0e+00, s12  }
0x23f: {  	s8 =	spop (v2sf);
	s7 =	sadd.f32 $0.0e+00, s20  }
0x240: {  	s5 =	sadd.f32 s8, s5;
	s22 =	spop (v2sf)  }
0x241: {  	s7 =	sadd.f32 s22, s7;
	s23 =	spop (v2sf)  }
0x242: {  	s5 =	sadd.f32 s23, s5;
	s24 =	spop (v2sf)  }
0x243: {  	s7 =	sadd.f32 s24, s7;
	s12 =	spop (v2sf)  }
0x244: {  	v52 =	vpop (erf);
	s5 =	sadd.f32 s12, s5;
	s20 =	spop (v2sf)  }
0x245: {  	v28 =	vpop (erf);
	s7 =	sadd.f32 s20, s7  }
0x246: {  	v29 =	vpop (erf);
	s23 =	spop (v2sf)  }
0x247: {  	v53 =	vpop (erf);
	s4 =	sadd.f32 s5, s4;
	s22 =	smul.f32 $5.000000000e-01, s7  }
0x248: {  	v27 =	vsub.f32 v52, v28;
	v54 =	vsub.f32 v29, v53;
	s5 =	sadd.f32 s23, s23  }
0x249: {  	s4 =	sadd.f32 s4, s22  }
0x24a: {  	v55 =	vmul.f32 v27, v25;
	v56 =	vmul.f32 v54, v26  }
0x24b: {  	s4 =	ssub.f32 s4, s5  }
0x24c: {  	v25 =	vadd.f32 v56, v55  }
0x24d: {  	v57 =	vmov s4  }
0x24e: {  	(xrf2) =	vadd.scan.msk.f32 $0xffff, v25;
	v58 =	vmax.f32 v57, $-6.000000000e+01  }
0x24f: {  	v25 =	vmin.f32 v58, $6.000000000e+01  }
0x250: {  	v25 =	vmul.f32 $1.442695020e+00, v25;
	_ =	sdelay $0x1  }
0x251: {  	v25 =	vbroadcast v25, $0x0;
	_ =	sdelay $0x1  }
0x252: {  	(erf) = vpow2.f32 v25;
	_ =	sdelay $0x3  }
0x253: {  	v59, _, _ =	vpop (xrf2)  }
0x254: {  	v25 =	vbroadcast v59, $0xF;
	_ =	sdelay $0x1  }
0x255: {  	v25 =	vadd.f32 v25, v24;
	_ =	sdelay $0x1  }
0x256: {  	v25 =	vmax.f32 v25, $1.000000000e-30;
	v60 =	vpop (erf)  }
0x257: {  	v23 =	vmul.f32 v25, v23;
	v61 =	vmul.f32 v60, v24;
	_ =	sdelay $0x1  }
0x258: {  	v62 =	vsub.f32 $1.000000000e+00, v22;
	vm2 =	vgt.f32 v61, v23  }
0x259: {  	v63 =	vsub.f32 $1.000000000e+00, v21;
	vm0 =	vmand vm0, vm2  }
0x25a: {  	s1 =	sor.u32 s18, s1;
	vm15 =	vmand vm1, vm2;
	v22 =	vsel vm0, v62, v22  }
0x25b: {  	p0 =	seq.s32 s3, $0x3;
	s1 =	sshrl.u32 s1, $0x3;
	s24 =	rddreg [dreg:$0x5];
	v21 =	vsel vm15, v63, v21;
	[tilespmem:v20+s6+$0x0] =	vst.idx.msk $0xffff, v22  }
.Ltmp13:
0x25c: {  	s1 =	sadd.s32 s24, s1;
	[tilespmem:v19+s6+$0x0] =	vst.idx.msk $0x7fff, v21;
	(pc) =	sbr.rel @p0 .LBB2_19-.Ltmp13, $4  }
0x25d: {  	[hbm4b:s1+s25] =	stream.strided.scatter [tilespmem:s6], [sflag:$0x3], $0x8000, s26, s25, $0x38;
	[tilespmem:$0xCB00] =	vst v63  }
0x25e: {  	_ =	swait.ge [sflag:s21], $0x8000  }
0x25f: {  	[sflag:s21] =	ssyncset.done $0x0  }
0x260: {  	[sflag:s21] =	ssyncadd.s32 $0xFFFF8000  }
0x261: {  	s1 =	sadd.s32 $0x1, s19  }
.Ltmp14:
0x262: {  	s4 =	sshll.u32 s1, $0x4;
	(pc) =	sbr.rel .LBB2_2-.Ltmp14, $4  }
0x263: {  	s5 =	rddreg [dreg:$0x0];
	s1 =	sshll.u32 s1, $0xC;
	s4 =	sand.u32 $0x70, s4  }
0x264: {  	s1 =	sand.u32 $0xFFF8000, s1;
	s4 =	sadd.s32 s5, s4  }
0x265: {  	s3 =	sadd.s32 $0x1, s3;
	s1 =	sadd.s32 s1, s4  }
0x266: {  	[tilespmem:s6], [sflag:$0x2] =	stream.strided.gather [hbm4b:s1+s25], $0x8000, s26, s25, $0x38;
	[tilespmem:$0xCB00] =	vst v63  }
.LBB2_20:
0x267: {  	_ =	sfence.sel $0x180000  }
0x268: {  	[bflag:$0x0] =	sbarrier.arrive $0xFFFF  }
0x269: {  	_ =	strace $0x90000047  }
0x26a: {  	s0 =	stileid.u32;
	[bflag:$0x2] =	sbarrier.arrive $0xFFFF  }
0x26b: {  	p0 =	sne.s32 s0, $0x0;
	s0 =	rddreg [dreg:$0x6]  }
0x26c: {  	s0 =	sadd.s32 @!p0 $0x100000, s0  }
0x26d: {  	[sflag:s0] =	ssyncadd.tile.s32 @!p0 $0x1;
	_ =	shalt  }
.Lfunc_end2:
_tile_overlayer_lowered:
.L_overlay_start_2:
0x26e: {  	(tag) =	ssettag $0x2  }
0x26f: {  	s0 =	rddreg [dreg:$0x0];
	s2 =	stileid.u32  }
0x270: {  	s1 =	rddreg [dreg:$0x1];
	p0 =	sne.s32 s2, $0x0  }
0x271: {  	s3 =	rddreg [dreg:$0x2];
	[bflag:$0x3] =	sbarrier.arrive $0xFFFF;
	s2 =	simm.s32 @!p0 $0x1C03  }
0x272: {  	[timem:s3], [sflag:s2] =	dma.local @!p0 [hbm:s0], s1  }
0x273: {  	s0 =	simm.s32 @!p0 $0x3  }
0x274: {  	_ =	swait.ge @!p0 [sflag:s0], s1  }
0x275: {  	s1 =	ssub.s32 @!p0 $0x0, s1;
	[sflag:s0] =	ssyncset.done @!p0 $0x0  }
0x276: {  	[sflag:s0] =	ssyncadd.s32 @!p0 s1  }
0x277: {  	[bflag:$0x3] =	sbarrier.arrive $0xFFFF  }
0x278: {  	_ =	shalt  }

</sc_bundles>
